<compile_context>
chip_gen: v7x
topology: tpu7x:2x2x1
jax: 0.10.2.dev20260603
libtpu: 0.0.44.dev20260713+nightly
codegen_flags: <defaults>
</compile_context>

<pallas_src>
import math

import jax
import jax.numpy as jnp
from jax import lax
from jax.experimental import pallas as pl
from jax.experimental.pallas import tpu as pltpu
from jax.experimental.pallas import tpu_sc as plsc

_VOCAB = 1000000
_EMBED = 64
_BATCH = 4096
_HIST = 200
_LANES = 16

_B_TOTAL = _BATCH * _HIST
_BLK = 128
_N_BLOCKS = _B_TOTAL // _BLK
_NW = 32
_BLOCKS_PER_W = _N_BLOCKS // _NW
_NBUF = 4
_AHEAD = 2
_SCALE = math.sqrt(_EMBED)


def _emb_body(x_hbm, table_hbm, out_hbm, idx_all, rows_v, gsem, wsem):
    wid = lax.axis_index("s") * 2 + lax.axis_index("c")
    base = wid * _BLOCKS_PER_W
    pltpu.sync_copy(x_hbm.at[pl.ds(base, _BLOCKS_PER_W)], idx_all)

    def fire_gather(s, b):
        pltpu.async_copy(table_hbm.at[idx_all.at[s]], rows_v.at[b], gsem.at[b])

    def out_rows(s):
        return out_hbm.at[pl.ds((base + s) * _BLK, _BLK)]

    for s0 in range(_AHEAD):
        fire_gather(s0, s0)

    def outer(g, carry):
        for b in range(_NBUF):
            s = g * _NBUF + b
            bn = (b + _AHEAD) % _NBUF
            pltpu.make_async_copy(
                table_hbm.at[idx_all.at[s]], rows_v.at[b], gsem.at[b]
            ).wait()

            @pl.when(jnp.logical_and(s >= _NBUF - _AHEAD, s < _BLOCKS_PER_W - _AHEAD))
            def _drain():
                pltpu.make_async_copy(
                    rows_v.at[bn], out_rows(0), wsem.at[bn]
                ).wait()

            @pl.when(s < _BLOCKS_PER_W - _AHEAD)
            def _prefetch():
                fire_gather(s + _AHEAD, bn)

            @plsc.parallel_loop(0, _BLK, step=1, unroll=4)
            def _scale(r):
                for c in range(_EMBED // _LANES):
                    sl = pl.ds(c * _LANES, _LANES)
                    rows_v[b, r, sl] = rows_v[b, r, sl] * _SCALE

            pltpu.async_copy(rows_v.at[b], out_rows(s), wsem.at[b])
        return carry

    lax.fori_loop(0, _BLOCKS_PER_W // _NBUF, outer, 0)

    for b in range(_NBUF):
        pltpu.make_async_copy(rows_v.at[b], out_rows(0), wsem.at[b]).wait()


def kernel(x, table):
    xf = x.reshape(_N_BLOCKS, _BLK)
    run = pl.kernel(
        _emb_body,
        out_type=jax.ShapeDtypeStruct((_B_TOTAL, _EMBED), jnp.float32),
        mesh=plsc.VectorSubcoreMesh(core_axis_name="c", subcore_axis_name="s"),
        scratch_types=[
            pltpu.VMEM((_BLOCKS_PER_W, _BLK), jnp.int32),
            pltpu.VMEM((_NBUF, _BLK, _EMBED), jnp.float32),
            pltpu.SemaphoreType.DMA((_NBUF,)),
            pltpu.SemaphoreType.DMA((_NBUF,)),
        ],
        compiler_params=pltpu.CompilerParams(use_tc_tiling_on_sc=False),
    )
    out = run(xf, table)
    return out.reshape(_BATCH, _HIST, _EMBED)

# --- scband reference (transcript-rebuilt; emitter-appended) ---
"""Pipeline reference for scband-embedding-84705345012034 (READ-ONLY COPY).

The authoritative reference and input builder live on the scoring server;
editing this copy changes nothing except your own understanding.
"""

import jax, jax.numpy as jnp
import numpy as np
import math

VOCAB = 1000000
EMBED = 64
BATCH = 4096
HIST = 200

def setup_inputs(seed: int = 0) -> dict:
    key = jax.random.key(seed)
    k1, k2 = jax.random.split(key)
    x = jax.random.randint(k1, (BATCH, HIST), 0, VOCAB, dtype=jnp.int64) if jax.config.jax_enable_x64 else jax.random.randint(k1, (BATCH, HIST), 0, VOCAB, dtype=jnp.int32)
    table = jax.random.normal(k2, (VOCAB, EMBED), dtype=jnp.float32)
    return {"x": x, "table": table}

def reference(x, table):
    embeded = jnp.take(table, x, axis=0)
    result = embeded * math.sqrt(EMBED)
    return result

if __name__ == "__main__":
    import jax
    _d = setup_inputs()
    print(jax.jit(kernel)(*tuple(_d.values())))

</pallas_src>

<mosaic_0001>
#map = affine_map<(d0, d1) -> (0, 0)>
module attributes {stable_mosaic.version = 14 : i64} {
  func.func @_emb_body(%arg0: i32, %arg1: i32, %arg2: memref<6400x128xi32, #tpu.memory_space<hbm>>, %arg3: memref<1000000x64xf32, #tpu.memory_space<hbm>>, %arg4: memref<819200x64xf32, #tpu.memory_space<hbm>>, %arg5: memref<200x128xi32, #tpu.memory_space<vmem>>, %arg6: memref<4x128x64xf32, #tpu.memory_space<vmem>>, %arg7: memref<4x!tpu.dma_semaphore, #tpu.memory_space<semaphore_mem>>, %arg8: memref<4x!tpu.dma_semaphore, #tpu.memory_space<semaphore_mem>>) attributes {dimension_semantics = [#tpu.dimension_semantics<core_parallel>, #tpu.dimension_semantics<subcore_parallel>], iteration_bounds = array<i64: 2, 16>, scalar_prefetch = 0 : i64, scratch_operands = 4 : i64, tpu.core_type = #tpu.core_type<sc_vector_subcore>, window_params = [{transform_indices = #map}, {transform_indices = #map}, {transform_indices = #map}]} {
    %mul3A = arith.constant 2 : i32
    %mul3A_0 = arith.muli %arg1, %mul3A : i32
    %add3A = arith.addi %mul3A_0, %arg0 : i32
    %mul3A_1 = arith.constant 200 : i32
    %mul3A_2 = arith.muli %add3A, %mul3A_1 : i32
    "tpu.region"() ({
      %run_scoped3A = tpu.sem_alloc : memref<!tpu.dma_semaphore, #tpu.memory_space<semaphore_mem>>
      %dma_start3A_116 = arith.constant 0 : i32
      %dma_start3A_117 = tpu.memref_slice %arg2[%mul3A_2, %dma_start3A_116] : memref<6400x128xi32, #tpu.memory_space<hbm>> -> memref<200x128xi32, #tpu.memory_space<hbm>>
      %dma_start3A_118 = arith.constant 0 : i32
      %dma_start3A_119 = tpu.memref_slice %arg2[%mul3A_2, %dma_start3A_118] : memref<6400x128xi32, #tpu.memory_space<hbm>> -> memref<200x128xi32, #tpu.memory_space<hbm>>
      tpu.enqueue_dma source(%dma_start3A_119 : memref<200x128xi32, #tpu.memory_space<hbm>>) target(%arg5 : memref<200x128xi32, #tpu.memory_space<vmem>>) target_semaphore(%run_scoped3A : memref<!tpu.dma_semaphore, #tpu.memory_space<semaphore_mem>>)
      %dma_wait3A_120 = arith.constant 0 : i32
      %dma_wait3A_121 = tpu.memref_slice %arg2[%mul3A_2, %dma_wait3A_120] : memref<6400x128xi32, #tpu.memory_space<hbm>> -> memref<200x128xi32, #tpu.memory_space<hbm>>
      %dma_wait3A_122 = arith.constant 0 : i32
      %dma_wait3A_123 = tpu.memref_slice %arg2[%mul3A_2, %dma_wait3A_122] : memref<6400x128xi32, #tpu.memory_space<hbm>> -> memref<200x128xi32, #tpu.memory_space<hbm>>
      tpu.wait_dma2 semaphore(%run_scoped3A : memref<!tpu.dma_semaphore, #tpu.memory_space<semaphore_mem>>) src(%dma_wait3A_123 : memref<200x128xi32, #tpu.memory_space<hbm>>) dst(%arg5 : memref<200x128xi32, #tpu.memory_space<vmem>>)
      tpu.yield
    }) : () -> ()
    %dma_start3A = arith.constant 0 : i32
    %dma_start3A_3 = arith.constant 0 : i32
    %dma_start3A_4 = arith.constant 0 : i32
    %dma_start3A_5 = arith.constant 0 : i32
    %dma_start3A_6 = arith.constant 0 : i32
    %dma_start3A_7 = tpu.memref_slice %arg6[%dma_start3A_3, %dma_start3A_5, %dma_start3A_6] : memref<4x128x64xf32, #tpu.memory_space<vmem>> -> memref<1x128x64xf32, #tpu.memory_space<vmem>>
    %dma_start3A_8 = tpu.memref_squeeze %dma_start3A_7 : memref<1x128x64xf32, #tpu.memory_space<vmem>> -> memref<128x64xf32, #tpu.memory_space<vmem>>
    %dma_start3A_9 = arith.constant 0 : i32
    %dma_start3A_10 = tpu.memref_slice %arg5[%dma_start3A, %dma_start3A_9] : memref<200x128xi32, #tpu.memory_space<vmem>> -> memref<1x128xi32, #tpu.memory_space<vmem>>
    %dma_start3A_11 = tpu.memref_squeeze %dma_start3A_10 : memref<1x128xi32, #tpu.memory_space<vmem>> -> memref<128xi32, #tpu.memory_space<vmem>>
    %dma_start3A_12 = arith.constant 0 : i32
    %dma_start3A_13 = arith.constant 0 : i32
    %dma_start3A_14 = tpu.memref_slice %arg3[%dma_start3A_12, %dma_start3A_13] : memref<1000000x64xf32, #tpu.memory_space<hbm>> -> memref<1000000x64xf32, #tpu.memory_space<hbm>>
    %dma_start3A_15 = tpu.memref_slice %arg7[%dma_start3A_4] : memref<4x!tpu.dma_semaphore, #tpu.memory_space<semaphore_mem>> -> memref<1x!tpu.dma_semaphore, #tpu.memory_space<semaphore_mem>>
    %dma_start3A_16 = tpu.memref_squeeze %dma_start3A_15 : memref<1x!tpu.dma_semaphore, #tpu.memory_space<semaphore_mem>> -> memref<!tpu.dma_semaphore, #tpu.memory_space<semaphore_mem>>
    tpu.enqueue_indirect_dma source(%dma_start3A_14 : memref<1000000x64xf32, #tpu.memory_space<hbm>>) target(%dma_start3A_8 : memref<128x64xf32, #tpu.memory_space<vmem>>) offsets(%dma_start3A_11 : memref<128xi32, #tpu.memory_space<vmem>>) semaphore(%dma_start3A_16 : memref<!tpu.dma_semaphore, #tpu.memory_space<semaphore_mem>>)
    %dma_start3A_17 = arith.constant 1 : i32
    %dma_start3A_18 = arith.constant 1 : i32
    %dma_start3A_19 = arith.constant 1 : i32
    %dma_start3A_20 = arith.constant 0 : i32
    %dma_start3A_21 = arith.constant 0 : i32
    %dma_start3A_22 = tpu.memref_slice %arg6[%dma_start3A_18, %dma_start3A_20, %dma_start3A_21] : memref<4x128x64xf32, #tpu.memory_space<vmem>> -> memref<1x128x64xf32, #tpu.memory_space<vmem>>
    %dma_start3A_23 = tpu.memref_squeeze %dma_start3A_22 : memref<1x128x64xf32, #tpu.memory_space<vmem>> -> memref<128x64xf32, #tpu.memory_space<vmem>>
    %dma_start3A_24 = arith.constant 0 : i32
    %dma_start3A_25 = tpu.memref_slice %arg5[%dma_start3A_17, %dma_start3A_24] : memref<200x128xi32, #tpu.memory_space<vmem>> -> memref<1x128xi32, #tpu.memory_space<vmem>>
    %dma_start3A_26 = tpu.memref_squeeze %dma_start3A_25 : memref<1x128xi32, #tpu.memory_space<vmem>> -> memref<128xi32, #tpu.memory_space<vmem>>
    %dma_start3A_27 = arith.constant 0 : i32
    %dma_start3A_28 = arith.constant 0 : i32
    %dma_start3A_29 = tpu.memref_slice %arg3[%dma_start3A_27, %dma_start3A_28] : memref<1000000x64xf32, #tpu.memory_space<hbm>> -> memref<1000000x64xf32, #tpu.memory_space<hbm>>
    %dma_start3A_30 = tpu.memref_slice %arg7[%dma_start3A_19] : memref<4x!tpu.dma_semaphore, #tpu.memory_space<semaphore_mem>> -> memref<1x!tpu.dma_semaphore, #tpu.memory_space<semaphore_mem>>
    %dma_start3A_31 = tpu.memref_squeeze %dma_start3A_30 : memref<1x!tpu.dma_semaphore, #tpu.memory_space<semaphore_mem>> -> memref<!tpu.dma_semaphore, #tpu.memory_space<semaphore_mem>>
    tpu.enqueue_indirect_dma source(%dma_start3A_29 : memref<1000000x64xf32, #tpu.memory_space<hbm>>) target(%dma_start3A_23 : memref<128x64xf32, #tpu.memory_space<vmem>>) offsets(%dma_start3A_26 : memref<128xi32, #tpu.memory_space<vmem>>) semaphore(%dma_start3A_31 : memref<!tpu.dma_semaphore, #tpu.memory_space<semaphore_mem>>)
    %scan3A = arith.constant 0 : i32
    %scan3A_32 = arith.constant 0 : i32
    %scan3A_33 = arith.constant 50 : i32
    %scan3A_34 = arith.addi %scan3A_32, %scan3A_33 : i32
    %scan3A_35 = arith.constant 1 : i32
    scf.for %scan3A_116 = %scan3A_32 to %scan3A_34 step %scan3A_35  : i32 {
      %mul3A_117 = arith.constant 4 : i32
      %mul3A_118 = arith.muli %scan3A_116, %mul3A_117 : i32
      %add3A_119 = arith.constant 0 : i32
      %add3A_120 = arith.addi %mul3A_118, %add3A_119 : i32
      %dma_wait3A_121 = arith.constant 0 : i32
      %dma_wait3A_122 = arith.constant 0 : i32
      %dma_wait3A_123 = arith.constant 0 : i32
      %dma_wait3A_124 = arith.constant 0 : i32
      %dma_wait3A_125 = tpu.memref_slice %arg6[%dma_wait3A_121, %dma_wait3A_123, %dma_wait3A_124] : memref<4x128x64xf32, #tpu.memory_space<vmem>> -> memref<1x128x64xf32, #tpu.memory_space<vmem>>
      %dma_wait3A_126 = tpu.memref_squeeze %dma_wait3A_125 : memref<1x128x64xf32, #tpu.memory_space<vmem>> -> memref<128x64xf32, #tpu.memory_space<vmem>>
      %dma_wait3A_127 = arith.constant 0 : i32
      %dma_wait3A_128 = tpu.memref_slice %arg5[%add3A_120, %dma_wait3A_127] : memref<200x128xi32, #tpu.memory_space<vmem>> -> memref<1x128xi32, #tpu.memory_space<vmem>>
      %dma_wait3A_129 = tpu.memref_squeeze %dma_wait3A_128 : memref<1x128xi32, #tpu.memory_space<vmem>> -> memref<128xi32, #tpu.memory_space<vmem>>
      %dma_wait3A_130 = arith.constant 0 : i32
      %dma_wait3A_131 = arith.constant 0 : i32
      %dma_wait3A_132 = tpu.memref_slice %arg3[%dma_wait3A_130, %dma_wait3A_131] : memref<1000000x64xf32, #tpu.memory_space<hbm>> -> memref<1000000x64xf32, #tpu.memory_space<hbm>>
      %dma_wait3A_133 = tpu.memref_slice %arg7[%dma_wait3A_122] : memref<4x!tpu.dma_semaphore, #tpu.memory_space<semaphore_mem>> -> memref<1x!tpu.dma_semaphore, #tpu.memory_space<semaphore_mem>>
      %dma_wait3A_134 = tpu.memref_squeeze %dma_wait3A_133 : memref<1x!tpu.dma_semaphore, #tpu.memory_space<semaphore_mem>> -> memref<!tpu.dma_semaphore, #tpu.memory_space<semaphore_mem>>
      tpu.wait_indirect_dma semaphore(%dma_wait3A_134 : memref<!tpu.dma_semaphore, #tpu.memory_space<semaphore_mem>>) src(%dma_wait3A_132 : memref<1000000x64xf32, #tpu.memory_space<hbm>>) dst(%dma_wait3A_126 : memref<128x64xf32, #tpu.memory_space<vmem>>)
      %ge3A = arith.constant 2 : i32
      %ge3A_135 = arith.cmpi sge, %add3A_120, %ge3A : i32
      %lt3A = arith.constant 198 : i32
      %lt3A_136 = arith.cmpi slt, %add3A_120, %lt3A : i32
      %and3A = arith.andi %ge3A_135, %lt3A_136 : i1
      %convert_element_type3A = arith.extui %and3A : i1 to i32
      %cond3A = arith.constant 0 : i32
      %cond3A_137 = arith.cmpi ne, %convert_element_type3A, %cond3A : i32
      scf.if %cond3A_137 {
        %add3A_323 = arith.constant 0 : i32
        %add3A_324 = arith.addi %mul3A_2, %add3A_323 : i32
        %mul3A_325 = arith.constant 128 : i32
        %mul3A_326 = arith.muli %add3A_324, %mul3A_325 : i32
        %dma_wait3A_327 = arith.constant 2 : i32
        %dma_wait3A_328 = arith.constant 2 : i32
        %dma_wait3A_329 = arith.constant 0 : i32
        %dma_wait3A_330 = arith.constant 0 : i32
        %dma_wait3A_331 = tpu.memref_slice %arg6[%dma_wait3A_327, %dma_wait3A_329, %dma_wait3A_330] : memref<4x128x64xf32, #tpu.memory_space<vmem>> -> memref<1x128x64xf32, #tpu.memory_space<vmem>>
        %dma_wait3A_332 = tpu.memref_squeeze %dma_wait3A_331 : memref<1x128x64xf32, #tpu.memory_space<vmem>> -> memref<128x64xf32, #tpu.memory_space<vmem>>
        %dma_wait3A_333 = arith.constant 0 : i32
        %dma_wait3A_334 = tpu.memref_slice %arg4[%mul3A_326, %dma_wait3A_333] : memref<819200x64xf32, #tpu.memory_space<hbm>> -> memref<128x64xf32, #tpu.memory_space<hbm>>
        %dma_wait3A_335 = tpu.memref_slice %arg8[%dma_wait3A_328] : memref<4x!tpu.dma_semaphore, #tpu.memory_space<semaphore_mem>> -> memref<1x!tpu.dma_semaphore, #tpu.memory_space<semaphore_mem>>
        %dma_wait3A_336 = tpu.memref_squeeze %dma_wait3A_335 : memref<1x!tpu.dma_semaphore, #tpu.memory_space<semaphore_mem>> -> memref<!tpu.dma_semaphore, #tpu.memory_space<semaphore_mem>>
        %dma_wait3A_337 = arith.constant 0 : i32
        %dma_wait3A_338 = tpu.memref_slice %arg4[%mul3A_326, %dma_wait3A_337] : memref<819200x64xf32, #tpu.memory_space<hbm>> -> memref<128x64xf32, #tpu.memory_space<hbm>>
        %dma_wait3A_339 = arith.constant 0 : i32
        %dma_wait3A_340 = arith.constant 0 : i32
        %dma_wait3A_341 = tpu.memref_slice %arg6[%dma_wait3A_327, %dma_wait3A_339, %dma_wait3A_340] : memref<4x128x64xf32, #tpu.memory_space<vmem>> -> memref<1x128x64xf32, #tpu.memory_space<vmem>>
        %dma_wait3A_342 = tpu.memref_squeeze %dma_wait3A_341 : memref<1x128x64xf32, #tpu.memory_space<vmem>> -> memref<128x64xf32, #tpu.memory_space<vmem>>
        tpu.wait_dma2 semaphore(%dma_wait3A_336 : memref<!tpu.dma_semaphore, #tpu.memory_space<semaphore_mem>>) src(%dma_wait3A_342 : memref<128x64xf32, #tpu.memory_space<vmem>>) dst(%dma_wait3A_338 : memref<128x64xf32, #tpu.memory_space<hbm>>)
      } else {
      }
      %lt3A_138 = arith.constant 198 : i32
      %lt3A_139 = arith.cmpi slt, %add3A_120, %lt3A_138 : i32
      %convert_element_type3A_140 = arith.extui %lt3A_139 : i1 to i32
      %cond3A_141 = arith.constant 0 : i32
      %cond3A_142 = arith.cmpi ne, %convert_element_type3A_140, %cond3A_141 : i32
      scf.if %cond3A_142 {
        %add3A_323 = arith.constant 2 : i32
        %add3A_324 = arith.addi %add3A_120, %add3A_323 : i32
        %dma_start3A_325 = arith.constant 2 : i32
        %dma_start3A_326 = arith.constant 2 : i32
        %dma_start3A_327 = arith.constant 0 : i32
        %dma_start3A_328 = arith.constant 0 : i32
        %dma_start3A_329 = tpu.memref_slice %arg6[%dma_start3A_325, %dma_start3A_327, %dma_start3A_328] : memref<4x128x64xf32, #tpu.memory_space<vmem>> -> memref<1x128x64xf32, #tpu.memory_space<vmem>>
        %dma_start3A_330 = tpu.memref_squeeze %dma_start3A_329 : memref<1x128x64xf32, #tpu.memory_space<vmem>> -> memref<128x64xf32, #tpu.memory_space<vmem>>
        %dma_start3A_331 = arith.constant 0 : i32
        %dma_start3A_332 = tpu.memref_slice %arg5[%add3A_324, %dma_start3A_331] : memref<200x128xi32, #tpu.memory_space<vmem>> -> memref<1x128xi32, #tpu.memory_space<vmem>>
        %dma_start3A_333 = tpu.memref_squeeze %dma_start3A_332 : memref<1x128xi32, #tpu.memory_space<vmem>> -> memref<128xi32, #tpu.memory_space<vmem>>
        %dma_start3A_334 = arith.constant 0 : i32
        %dma_start3A_335 = arith.constant 0 : i32
        %dma_start3A_336 = tpu.memref_slice %arg3[%dma_start3A_334, %dma_start3A_335] : memref<1000000x64xf32, #tpu.memory_space<hbm>> -> memref<1000000x64xf32, #tpu.memory_space<hbm>>
        %dma_start3A_337 = tpu.memref_slice %arg7[%dma_start3A_326] : memref<4x!tpu.dma_semaphore, #tpu.memory_space<semaphore_mem>> -> memref<1x!tpu.dma_semaphore, #tpu.memory_space<semaphore_mem>>
        %dma_start3A_338 = tpu.memref_squeeze %dma_start3A_337 : memref<1x!tpu.dma_semaphore, #tpu.memory_space<semaphore_mem>> -> memref<!tpu.dma_semaphore, #tpu.memory_space<semaphore_mem>>
        tpu.enqueue_indirect_dma source(%dma_start3A_336 : memref<1000000x64xf32, #tpu.memory_space<hbm>>) target(%dma_start3A_330 : memref<128x64xf32, #tpu.memory_space<vmem>>) offsets(%dma_start3A_333 : memref<128xi32, #tpu.memory_space<vmem>>) semaphore(%dma_start3A_338 : memref<!tpu.dma_semaphore, #tpu.memory_space<semaphore_mem>>)
      } else {
      }
      %parallel_loop3A = arith.constant 0 : i32
      %parallel_loop3A_143 = arith.constant 128 : i32
      %parallel_loop3A_144 = arith.constant 1 : i32
      scf.for %parallel_loop3A_323 = %parallel_loop3A to %parallel_loop3A_143 step %parallel_loop3A_144  : i32 {
        %parallel_loop3A_324 = arith.constant 0 : i32
        %parallel_loop3A_325 = arith.index_cast %parallel_loop3A_324 : i32 to index
        %parallel_loop3A_326 = arith.index_cast %parallel_loop3A_323 : i32 to index
        %parallel_loop3A_327 = arith.constant 0 : index
        %parallel_loop3A_328 = tpu.vector_load %arg6[%parallel_loop3A_325, %parallel_loop3A_326, %parallel_loop3A_327] {strides = array<i32>} : memref<4x128x64xf32, #tpu.memory_space<vmem>>, vector<1x1x16xf32>,
        %parallel_loop3A_329 = vector.shape_cast %parallel_loop3A_328 : vector<1x1x16xf32> to vector<16xf32>
        %parallel_loop3A_330 = arith.constant 8.000000e+00 : f32
        %parallel_loop3A_331 = vector.broadcast %parallel_loop3A_330 : f32 to vector<16xf32>
        %parallel_loop3A_332 = arith.mulf %parallel_loop3A_329, %parallel_loop3A_331 : vector<16xf32>
        %parallel_loop3A_333 = arith.constant 0 : i32
        %parallel_loop3A_334 = arith.index_cast %parallel_loop3A_333 : i32 to index
        %parallel_loop3A_335 = arith.index_cast %parallel_loop3A_323 : i32 to index
        %parallel_loop3A_336 = arith.constant 0 : index
        %parallel_loop3A_337 = tpu.vector_load %arg6[%parallel_loop3A_334, %parallel_loop3A_335, %parallel_loop3A_336] {strides = array<i32>} : memref<4x128x64xf32, #tpu.memory_space<vmem>>, vector<1x1x16xf32>,
        %parallel_loop3A_338 = vector.shape_cast %parallel_loop3A_337 : vector<1x1x16xf32> to vector<16xf32>
        %parallel_loop3A_339 = vector.shape_cast %parallel_loop3A_332 : vector<16xf32> to vector<1x1x16xf32>
        tpu.vector_store %arg6[%parallel_loop3A_334, %parallel_loop3A_335, %parallel_loop3A_336], %parallel_loop3A_339 {strides = array<i32>} : memref<4x128x64xf32, #tpu.memory_space<vmem>>, vector<1x1x16xf32>,
        %parallel_loop3A_340 = arith.constant 0 : i32
        %parallel_loop3A_341 = arith.index_cast %parallel_loop3A_340 : i32 to index
        %parallel_loop3A_342 = arith.index_cast %parallel_loop3A_323 : i32 to index
        %parallel_loop3A_343 = arith.constant 16 : index
        %parallel_loop3A_344 = tpu.vector_load %arg6[%parallel_loop3A_341, %parallel_loop3A_342, %parallel_loop3A_343] {strides = array<i32>} : memref<4x128x64xf32, #tpu.memory_space<vmem>>, vector<1x1x16xf32>,
        %parallel_loop3A_345 = vector.shape_cast %parallel_loop3A_344 : vector<1x1x16xf32> to vector<16xf32>
        %parallel_loop3A_346 = arith.constant 8.000000e+00 : f32
        %parallel_loop3A_347 = vector.broadcast %parallel_loop3A_346 : f32 to vector<16xf32>
        %parallel_loop3A_348 = arith.mulf %parallel_loop3A_345, %parallel_loop3A_347 : vector<16xf32>
        %parallel_loop3A_349 = arith.constant 0 : i32
        %parallel_loop3A_350 = arith.index_cast %parallel_loop3A_349 : i32 to index
        %parallel_loop3A_351 = arith.index_cast %parallel_loop3A_323 : i32 to index
        %parallel_loop3A_352 = arith.constant 16 : index
        %parallel_loop3A_353 = tpu.vector_load %arg6[%parallel_loop3A_350, %parallel_loop3A_351, %parallel_loop3A_352] {strides = array<i32>} : memref<4x128x64xf32, #tpu.memory_space<vmem>>, vector<1x1x16xf32>,
        %parallel_loop3A_354 = vector.shape_cast %parallel_loop3A_353 : vector<1x1x16xf32> to vector<16xf32>
        %parallel_loop3A_355 = vector.shape_cast %parallel_loop3A_348 : vector<16xf32> to vector<1x1x16xf32>
        tpu.vector_store %arg6[%parallel_loop3A_350, %parallel_loop3A_351, %parallel_loop3A_352], %parallel_loop3A_355 {strides = array<i32>} : memref<4x128x64xf32, #tpu.memory_space<vmem>>, vector<1x1x16xf32>,
        %parallel_loop3A_356 = arith.constant 0 : i32
        %parallel_loop3A_357 = arith.index_cast %parallel_loop3A_356 : i32 to index
        %parallel_loop3A_358 = arith.index_cast %parallel_loop3A_323 : i32 to index
        %parallel_loop3A_359 = arith.constant 32 : index
        %parallel_loop3A_360 = tpu.vector_load %arg6[%parallel_loop3A_357, %parallel_loop3A_358, %parallel_loop3A_359] {strides = array<i32>} : memref<4x128x64xf32, #tpu.memory_space<vmem>>, vector<1x1x16xf32>,
        %parallel_loop3A_361 = vector.shape_cast %parallel_loop3A_360 : vector<1x1x16xf32> to vector<16xf32>
        %parallel_loop3A_362 = arith.constant 8.000000e+00 : f32
        %parallel_loop3A_363 = vector.broadcast %parallel_loop3A_362 : f32 to vector<16xf32>
        %parallel_loop3A_364 = arith.mulf %parallel_loop3A_361, %parallel_loop3A_363 : vector<16xf32>
        %parallel_loop3A_365 = arith.constant 0 : i32
        %parallel_loop3A_366 = arith.index_cast %parallel_loop3A_365 : i32 to index
        %parallel_loop3A_367 = arith.index_cast %parallel_loop3A_323 : i32 to index
        %parallel_loop3A_368 = arith.constant 32 : index
        %parallel_loop3A_369 = tpu.vector_load %arg6[%parallel_loop3A_366, %parallel_loop3A_367, %parallel_loop3A_368] {strides = array<i32>} : memref<4x128x64xf32, #tpu.memory_space<vmem>>, vector<1x1x16xf32>,
        %parallel_loop3A_370 = vector.shape_cast %parallel_loop3A_369 : vector<1x1x16xf32> to vector<16xf32>
        %parallel_loop3A_371 = vector.shape_cast %parallel_loop3A_364 : vector<16xf32> to vector<1x1x16xf32>
        tpu.vector_store %arg6[%parallel_loop3A_366, %parallel_loop3A_367, %parallel_loop3A_368], %parallel_loop3A_371 {strides = array<i32>} : memref<4x128x64xf32, #tpu.memory_space<vmem>>, vector<1x1x16xf32>,
        %parallel_loop3A_372 = arith.constant 0 : i32
        %parallel_loop3A_373 = arith.index_cast %parallel_loop3A_372 : i32 to index
        %parallel_loop3A_374 = arith.index_cast %parallel_loop3A_323 : i32 to index
        %parallel_loop3A_375 = arith.constant 48 : index
        %parallel_loop3A_376 = tpu.vector_load %arg6[%parallel_loop3A_373, %parallel_loop3A_374, %parallel_loop3A_375] {strides = array<i32>} : memref<4x128x64xf32, #tpu.memory_space<vmem>>, vector<1x1x16xf32>,
        %parallel_loop3A_377 = vector.shape_cast %parallel_loop3A_376 : vector<1x1x16xf32> to vector<16xf32>
        %parallel_loop3A_378 = arith.constant 8.000000e+00 : f32
        %parallel_loop3A_379 = vector.broadcast %parallel_loop3A_378 : f32 to vector<16xf32>
        %parallel_loop3A_380 = arith.mulf %parallel_loop3A_377, %parallel_loop3A_379 : vector<16xf32>
        %parallel_loop3A_381 = arith.constant 0 : i32
        %parallel_loop3A_382 = arith.index_cast %parallel_loop3A_381 : i32 to index
        %parallel_loop3A_383 = arith.index_cast %parallel_loop3A_323 : i32 to index
        %parallel_loop3A_384 = arith.constant 48 : index
        %parallel_loop3A_385 = tpu.vector_load %arg6[%parallel_loop3A_382, %parallel_loop3A_383, %parallel_loop3A_384] {strides = array<i32>} : memref<4x128x64xf32, #tpu.memory_space<vmem>>, vector<1x1x16xf32>,
        %parallel_loop3A_386 = vector.shape_cast %parallel_loop3A_385 : vector<1x1x16xf32> to vector<16xf32>
        %parallel_loop3A_387 = vector.shape_cast %parallel_loop3A_380 : vector<16xf32> to vector<1x1x16xf32>
        tpu.vector_store %arg6[%parallel_loop3A_382, %parallel_loop3A_383, %parallel_loop3A_384], %parallel_loop3A_387 {strides = array<i32>} : memref<4x128x64xf32, #tpu.memory_space<vmem>>, vector<1x1x16xf32>,
      } {sc.loop_unroll_factor = 4 : i64, sc.parallel_access}
      %add3A_145 = arith.addi %mul3A_2, %add3A_120 : i32
      %mul3A_146 = arith.constant 128 : i32
      %mul3A_147 = arith.muli %add3A_145, %mul3A_146 : i32
      %dma_start3A_148 = arith.constant 0 : i32
      %dma_start3A_149 = arith.constant 0 : i32
      %dma_start3A_150 = arith.constant 0 : i32
      %dma_start3A_151 = arith.constant 0 : i32
      %dma_start3A_152 = tpu.memref_slice %arg6[%dma_start3A_148, %dma_start3A_150, %dma_start3A_151] : memref<4x128x64xf32, #tpu.memory_space<vmem>> -> memref<1x128x64xf32, #tpu.memory_space<vmem>>
      %dma_start3A_153 = tpu.memref_squeeze %dma_start3A_152 : memref<1x128x64xf32, #tpu.memory_space<vmem>> -> memref<128x64xf32, #tpu.memory_space<vmem>>
      %dma_start3A_154 = arith.constant 0 : i32
      %dma_start3A_155 = tpu.memref_slice %arg4[%mul3A_147, %dma_start3A_154] : memref<819200x64xf32, #tpu.memory_space<hbm>> -> memref<128x64xf32, #tpu.memory_space<hbm>>
      %dma_start3A_156 = tpu.memref_slice %arg8[%dma_start3A_149] : memref<4x!tpu.dma_semaphore, #tpu.memory_space<semaphore_mem>> -> memref<1x!tpu.dma_semaphore, #tpu.memory_space<semaphore_mem>>
      %dma_start3A_157 = tpu.memref_squeeze %dma_start3A_156 : memref<1x!tpu.dma_semaphore, #tpu.memory_space<semaphore_mem>> -> memref<!tpu.dma_semaphore, #tpu.memory_space<semaphore_mem>>
      %dma_start3A_158 = arith.constant 0 : i32
      %dma_start3A_159 = tpu.memref_slice %arg4[%mul3A_147, %dma_start3A_158] : memref<819200x64xf32, #tpu.memory_space<hbm>> -> memref<128x64xf32, #tpu.memory_space<hbm>>
      %dma_start3A_160 = arith.constant 0 : i32
      %dma_start3A_161 = arith.constant 0 : i32
      %dma_start3A_162 = tpu.memref_slice %arg6[%dma_start3A_148, %dma_start3A_160, %dma_start3A_161] : memref<4x128x64xf32, #tpu.memory_space<vmem>> -> memref<1x128x64xf32, #tpu.memory_space<vmem>>
      %dma_start3A_163 = tpu.memref_squeeze %dma_start3A_162 : memref<1x128x64xf32, #tpu.memory_space<vmem>> -> memref<128x64xf32, #tpu.memory_space<vmem>>
      tpu.enqueue_dma source(%dma_start3A_163 : memref<128x64xf32, #tpu.memory_space<vmem>>) target(%dma_start3A_159 : memref<128x64xf32, #tpu.memory_space<hbm>>) target_semaphore(%dma_start3A_157 : memref<!tpu.dma_semaphore, #tpu.memory_space<semaphore_mem>>)
      %mul3A_164 = arith.constant 4 : i32
      %mul3A_165 = arith.muli %scan3A_116, %mul3A_164 : i32
      %add3A_166 = arith.constant 1 : i32
      %add3A_167 = arith.addi %mul3A_165, %add3A_166 : i32
      %dma_wait3A_168 = arith.constant 1 : i32
      %dma_wait3A_169 = arith.constant 1 : i32
      %dma_wait3A_170 = arith.constant 0 : i32
      %dma_wait3A_171 = arith.constant 0 : i32
      %dma_wait3A_172 = tpu.memref_slice %arg6[%dma_wait3A_168, %dma_wait3A_170, %dma_wait3A_171] : memref<4x128x64xf32, #tpu.memory_space<vmem>> -> memref<1x128x64xf32, #tpu.memory_space<vmem>>
      %dma_wait3A_173 = tpu.memref_squeeze %dma_wait3A_172 : memref<1x128x64xf32, #tpu.memory_space<vmem>> -> memref<128x64xf32, #tpu.memory_space<vmem>>
      %dma_wait3A_174 = arith.constant 0 : i32
      %dma_wait3A_175 = tpu.memref_slice %arg5[%add3A_167, %dma_wait3A_174] : memref<200x128xi32, #tpu.memory_space<vmem>> -> memref<1x128xi32, #tpu.memory_space<vmem>>
      %dma_wait3A_176 = tpu.memref_squeeze %dma_wait3A_175 : memref<1x128xi32, #tpu.memory_space<vmem>> -> memref<128xi32, #tpu.memory_space<vmem>>
      %dma_wait3A_177 = arith.constant 0 : i32
      %dma_wait3A_178 = arith.constant 0 : i32
      %dma_wait3A_179 = tpu.memref_slice %arg3[%dma_wait3A_177, %dma_wait3A_178] : memref<1000000x64xf32, #tpu.memory_space<hbm>> -> memref<1000000x64xf32, #tpu.memory_space<hbm>>
      %dma_wait3A_180 = tpu.memref_slice %arg7[%dma_wait3A_169] : memref<4x!tpu.dma_semaphore, #tpu.memory_space<semaphore_mem>> -> memref<1x!tpu.dma_semaphore, #tpu.memory_space<semaphore_mem>>
      %dma_wait3A_181 = tpu.memref_squeeze %dma_wait3A_180 : memref<1x!tpu.dma_semaphore, #tpu.memory_space<semaphore_mem>> -> memref<!tpu.dma_semaphore, #tpu.memory_space<semaphore_mem>>
      tpu.wait_indirect_dma semaphore(%dma_wait3A_181 : memref<!tpu.dma_semaphore, #tpu.memory_space<semaphore_mem>>) src(%dma_wait3A_179 : memref<1000000x64xf32, #tpu.memory_space<hbm>>) dst(%dma_wait3A_173 : memref<128x64xf32, #tpu.memory_space<vmem>>)
      %ge3A_182 = arith.constant 2 : i32
      %ge3A_183 = arith.cmpi sge, %add3A_167, %ge3A_182 : i32
      %lt3A_184 = arith.constant 198 : i32
      %lt3A_185 = arith.cmpi slt, %add3A_167, %lt3A_184 : i32
      %and3A_186 = arith.andi %ge3A_183, %lt3A_185 : i1
      %convert_element_type3A_187 = arith.extui %and3A_186 : i1 to i32
      %cond3A_188 = arith.constant 0 : i32
      %cond3A_189 = arith.cmpi ne, %convert_element_type3A_187, %cond3A_188 : i32
      scf.if %cond3A_189 {
        %add3A_323 = arith.constant 0 : i32
        %add3A_324 = arith.addi %mul3A_2, %add3A_323 : i32
        %mul3A_325 = arith.constant 128 : i32
        %mul3A_326 = arith.muli %add3A_324, %mul3A_325 : i32
        %dma_wait3A_327 = arith.constant 3 : i32
        %dma_wait3A_328 = arith.constant 3 : i32
        %dma_wait3A_329 = arith.constant 0 : i32
        %dma_wait3A_330 = arith.constant 0 : i32
        %dma_wait3A_331 = tpu.memref_slice %arg6[%dma_wait3A_327, %dma_wait3A_329, %dma_wait3A_330] : memref<4x128x64xf32, #tpu.memory_space<vmem>> -> memref<1x128x64xf32, #tpu.memory_space<vmem>>
        %dma_wait3A_332 = tpu.memref_squeeze %dma_wait3A_331 : memref<1x128x64xf32, #tpu.memory_space<vmem>> -> memref<128x64xf32, #tpu.memory_space<vmem>>
        %dma_wait3A_333 = arith.constant 0 : i32
        %dma_wait3A_334 = tpu.memref_slice %arg4[%mul3A_326, %dma_wait3A_333] : memref<819200x64xf32, #tpu.memory_space<hbm>> -> memref<128x64xf32, #tpu.memory_space<hbm>>
        %dma_wait3A_335 = tpu.memref_slice %arg8[%dma_wait3A_328] : memref<4x!tpu.dma_semaphore, #tpu.memory_space<semaphore_mem>> -> memref<1x!tpu.dma_semaphore, #tpu.memory_space<semaphore_mem>>
        %dma_wait3A_336 = tpu.memref_squeeze %dma_wait3A_335 : memref<1x!tpu.dma_semaphore, #tpu.memory_space<semaphore_mem>> -> memref<!tpu.dma_semaphore, #tpu.memory_space<semaphore_mem>>
        %dma_wait3A_337 = arith.constant 0 : i32
        %dma_wait3A_338 = tpu.memref_slice %arg4[%mul3A_326, %dma_wait3A_337] : memref<819200x64xf32, #tpu.memory_space<hbm>> -> memref<128x64xf32, #tpu.memory_space<hbm>>
        %dma_wait3A_339 = arith.constant 0 : i32
        %dma_wait3A_340 = arith.constant 0 : i32
        %dma_wait3A_341 = tpu.memref_slice %arg6[%dma_wait3A_327, %dma_wait3A_339, %dma_wait3A_340] : memref<4x128x64xf32, #tpu.memory_space<vmem>> -> memref<1x128x64xf32, #tpu.memory_space<vmem>>
        %dma_wait3A_342 = tpu.memref_squeeze %dma_wait3A_341 : memref<1x128x64xf32, #tpu.memory_space<vmem>> -> memref<128x64xf32, #tpu.memory_space<vmem>>
        tpu.wait_dma2 semaphore(%dma_wait3A_336 : memref<!tpu.dma_semaphore, #tpu.memory_space<semaphore_mem>>) src(%dma_wait3A_342 : memref<128x64xf32, #tpu.memory_space<vmem>>) dst(%dma_wait3A_338 : memref<128x64xf32, #tpu.memory_space<hbm>>)
      } else {
      }
      %lt3A_190 = arith.constant 198 : i32
      %lt3A_191 = arith.cmpi slt, %add3A_167, %lt3A_190 : i32
      %convert_element_type3A_192 = arith.extui %lt3A_191 : i1 to i32
      %cond3A_193 = arith.constant 0 : i32
      %cond3A_194 = arith.cmpi ne, %convert_element_type3A_192, %cond3A_193 : i32
      scf.if %cond3A_194 {
        %add3A_323 = arith.constant 2 : i32
        %add3A_324 = arith.addi %add3A_167, %add3A_323 : i32
        %dma_start3A_325 = arith.constant 3 : i32
        %dma_start3A_326 = arith.constant 3 : i32
        %dma_start3A_327 = arith.constant 0 : i32
        %dma_start3A_328 = arith.constant 0 : i32
        %dma_start3A_329 = tpu.memref_slice %arg6[%dma_start3A_325, %dma_start3A_327, %dma_start3A_328] : memref<4x128x64xf32, #tpu.memory_space<vmem>> -> memref<1x128x64xf32, #tpu.memory_space<vmem>>
        %dma_start3A_330 = tpu.memref_squeeze %dma_start3A_329 : memref<1x128x64xf32, #tpu.memory_space<vmem>> -> memref<128x64xf32, #tpu.memory_space<vmem>>
        %dma_start3A_331 = arith.constant 0 : i32
        %dma_start3A_332 = tpu.memref_slice %arg5[%add3A_324, %dma_start3A_331] : memref<200x128xi32, #tpu.memory_space<vmem>> -> memref<1x128xi32, #tpu.memory_space<vmem>>
        %dma_start3A_333 = tpu.memref_squeeze %dma_start3A_332 : memref<1x128xi32, #tpu.memory_space<vmem>> -> memref<128xi32, #tpu.memory_space<vmem>>
        %dma_start3A_334 = arith.constant 0 : i32
        %dma_start3A_335 = arith.constant 0 : i32
        %dma_start3A_336 = tpu.memref_slice %arg3[%dma_start3A_334, %dma_start3A_335] : memref<1000000x64xf32, #tpu.memory_space<hbm>> -> memref<1000000x64xf32, #tpu.memory_space<hbm>>
        %dma_start3A_337 = tpu.memref_slice %arg7[%dma_start3A_326] : memref<4x!tpu.dma_semaphore, #tpu.memory_space<semaphore_mem>> -> memref<1x!tpu.dma_semaphore, #tpu.memory_space<semaphore_mem>>
        %dma_start3A_338 = tpu.memref_squeeze %dma_start3A_337 : memref<1x!tpu.dma_semaphore, #tpu.memory_space<semaphore_mem>> -> memref<!tpu.dma_semaphore, #tpu.memory_space<semaphore_mem>>
        tpu.enqueue_indirect_dma source(%dma_start3A_336 : memref<1000000x64xf32, #tpu.memory_space<hbm>>) target(%dma_start3A_330 : memref<128x64xf32, #tpu.memory_space<vmem>>) offsets(%dma_start3A_333 : memref<128xi32, #tpu.memory_space<vmem>>) semaphore(%dma_start3A_338 : memref<!tpu.dma_semaphore, #tpu.memory_space<semaphore_mem>>)
      } else {
      }
      %parallel_loop3A_195 = arith.constant 0 : i32
      %parallel_loop3A_196 = arith.constant 128 : i32
      %parallel_loop3A_197 = arith.constant 1 : i32
      scf.for %parallel_loop3A_323 = %parallel_loop3A_195 to %parallel_loop3A_196 step %parallel_loop3A_197  : i32 {
        %parallel_loop3A_324 = arith.constant 1 : i32
        %parallel_loop3A_325 = arith.index_cast %parallel_loop3A_324 : i32 to index
        %parallel_loop3A_326 = arith.index_cast %parallel_loop3A_323 : i32 to index
        %parallel_loop3A_327 = arith.constant 0 : index
        %parallel_loop3A_328 = tpu.vector_load %arg6[%parallel_loop3A_325, %parallel_loop3A_326, %parallel_loop3A_327] {strides = array<i32>} : memref<4x128x64xf32, #tpu.memory_space<vmem>>, vector<1x1x16xf32>,
        %parallel_loop3A_329 = vector.shape_cast %parallel_loop3A_328 : vector<1x1x16xf32> to vector<16xf32>
        %parallel_loop3A_330 = arith.constant 8.000000e+00 : f32
        %parallel_loop3A_331 = vector.broadcast %parallel_loop3A_330 : f32 to vector<16xf32>
        %parallel_loop3A_332 = arith.mulf %parallel_loop3A_329, %parallel_loop3A_331 : vector<16xf32>
        %parallel_loop3A_333 = arith.constant 1 : i32
        %parallel_loop3A_334 = arith.index_cast %parallel_loop3A_333 : i32 to index
        %parallel_loop3A_335 = arith.index_cast %parallel_loop3A_323 : i32 to index
        %parallel_loop3A_336 = arith.constant 0 : index
        %parallel_loop3A_337 = tpu.vector_load %arg6[%parallel_loop3A_334, %parallel_loop3A_335, %parallel_loop3A_336] {strides = array<i32>} : memref<4x128x64xf32, #tpu.memory_space<vmem>>, vector<1x1x16xf32>,
        %parallel_loop3A_338 = vector.shape_cast %parallel_loop3A_337 : vector<1x1x16xf32> to vector<16xf32>
        %parallel_loop3A_339 = vector.shape_cast %parallel_loop3A_332 : vector<16xf32> to vector<1x1x16xf32>
        tpu.vector_store %arg6[%parallel_loop3A_334, %parallel_loop3A_335, %parallel_loop3A_336], %parallel_loop3A_339 {strides = array<i32>} : memref<4x128x64xf32, #tpu.memory_space<vmem>>, vector<1x1x16xf32>,
        %parallel_loop3A_340 = arith.constant 1 : i32
        %parallel_loop3A_341 = arith.index_cast %parallel_loop3A_340 : i32 to index
        %parallel_loop3A_342 = arith.index_cast %parallel_loop3A_323 : i32 to index
        %parallel_loop3A_343 = arith.constant 16 : index
        %parallel_loop3A_344 = tpu.vector_load %arg6[%parallel_loop3A_341, %parallel_loop3A_342, %parallel_loop3A_343] {strides = array<i32>} : memref<4x128x64xf32, #tpu.memory_space<vmem>>, vector<1x1x16xf32>,
        %parallel_loop3A_345 = vector.shape_cast %parallel_loop3A_344 : vector<1x1x16xf32> to vector<16xf32>
        %parallel_loop3A_346 = arith.constant 8.000000e+00 : f32
        %parallel_loop3A_347 = vector.broadcast %parallel_loop3A_346 : f32 to vector<16xf32>
        %parallel_loop3A_348 = arith.mulf %parallel_loop3A_345, %parallel_loop3A_347 : vector<16xf32>
        %parallel_loop3A_349 = arith.constant 1 : i32
        %parallel_loop3A_350 = arith.index_cast %parallel_loop3A_349 : i32 to index
        %parallel_loop3A_351 = arith.index_cast %parallel_loop3A_323 : i32 to index
        %parallel_loop3A_352 = arith.constant 16 : index
        %parallel_loop3A_353 = tpu.vector_load %arg6[%parallel_loop3A_350, %parallel_loop3A_351, %parallel_loop3A_352] {strides = array<i32>} : memref<4x128x64xf32, #tpu.memory_space<vmem>>, vector<1x1x16xf32>,
        %parallel_loop3A_354 = vector.shape_cast %parallel_loop3A_353 : vector<1x1x16xf32> to vector<16xf32>
        %parallel_loop3A_355 = vector.shape_cast %parallel_loop3A_348 : vector<16xf32> to vector<1x1x16xf32>
        tpu.vector_store %arg6[%parallel_loop3A_350, %parallel_loop3A_351, %parallel_loop3A_352], %parallel_loop3A_355 {strides = array<i32>} : memref<4x128x64xf32, #tpu.memory_space<vmem>>, vector<1x1x16xf32>,
        %parallel_loop3A_356 = arith.constant 1 : i32
        %parallel_loop3A_357 = arith.index_cast %parallel_loop3A_356 : i32 to index
        %parallel_loop3A_358 = arith.index_cast %parallel_loop3A_323 : i32 to index
        %parallel_loop3A_359 = arith.constant 32 : index
        %parallel_loop3A_360 = tpu.vector_load %arg6[%parallel_loop3A_357, %parallel_loop3A_358, %parallel_loop3A_359] {strides = array<i32>} : memref<4x128x64xf32, #tpu.memory_space<vmem>>, vector<1x1x16xf32>,
        %parallel_loop3A_361 = vector.shape_cast %parallel_loop3A_360 : vector<1x1x16xf32> to vector<16xf32>
        %parallel_loop3A_362 = arith.constant 8.000000e+00 : f32
        %parallel_loop3A_363 = vector.broadcast %parallel_loop3A_362 : f32 to vector<16xf32>
        %parallel_loop3A_364 = arith.mulf %parallel_loop3A_361, %parallel_loop3A_363 : vector<16xf32>
        %parallel_loop3A_365 = arith.constant 1 : i32
        %parallel_loop3A_366 = arith.index_cast %parallel_loop3A_365 : i32 to index
        %parallel_loop3A_367 = arith.index_cast %parallel_loop3A_323 : i32 to index
        %parallel_loop3A_368 = arith.constant 32 : index
        %parallel_loop3A_369 = tpu.vector_load %arg6[%parallel_loop3A_366, %parallel_loop3A_367, %parallel_loop3A_368] {strides = array<i32>} : memref<4x128x64xf32, #tpu.memory_space<vmem>>, vector<1x1x16xf32>,
        %parallel_loop3A_370 = vector.shape_cast %parallel_loop3A_369 : vector<1x1x16xf32> to vector<16xf32>
        %parallel_loop3A_371 = vector.shape_cast %parallel_loop3A_364 : vector<16xf32> to vector<1x1x16xf32>
        tpu.vector_store %arg6[%parallel_loop3A_366, %parallel_loop3A_367, %parallel_loop3A_368], %parallel_loop3A_371 {strides = array<i32>} : memref<4x128x64xf32, #tpu.memory_space<vmem>>, vector<1x1x16xf32>,
        %parallel_loop3A_372 = arith.constant 1 : i32
        %parallel_loop3A_373 = arith.index_cast %parallel_loop3A_372 : i32 to index
        %parallel_loop3A_374 = arith.index_cast %parallel_loop3A_323 : i32 to index
        %parallel_loop3A_375 = arith.constant 48 : index
        %parallel_loop3A_376 = tpu.vector_load %arg6[%parallel_loop3A_373, %parallel_loop3A_374, %parallel_loop3A_375] {strides = array<i32>} : memref<4x128x64xf32, #tpu.memory_space<vmem>>, vector<1x1x16xf32>,
        %parallel_loop3A_377 = vector.shape_cast %parallel_loop3A_376 : vector<1x1x16xf32> to vector<16xf32>
        %parallel_loop3A_378 = arith.constant 8.000000e+00 : f32
        %parallel_loop3A_379 = vector.broadcast %parallel_loop3A_378 : f32 to vector<16xf32>
        %parallel_loop3A_380 = arith.mulf %parallel_loop3A_377, %parallel_loop3A_379 : vector<16xf32>
        %parallel_loop3A_381 = arith.constant 1 : i32
        %parallel_loop3A_382 = arith.index_cast %parallel_loop3A_381 : i32 to index
        %parallel_loop3A_383 = arith.index_cast %parallel_loop3A_323 : i32 to index
        %parallel_loop3A_384 = arith.constant 48 : index
        %parallel_loop3A_385 = tpu.vector_load %arg6[%parallel_loop3A_382, %parallel_loop3A_383, %parallel_loop3A_384] {strides = array<i32>} : memref<4x128x64xf32, #tpu.memory_space<vmem>>, vector<1x1x16xf32>,
        %parallel_loop3A_386 = vector.shape_cast %parallel_loop3A_385 : vector<1x1x16xf32> to vector<16xf32>
        %parallel_loop3A_387 = vector.shape_cast %parallel_loop3A_380 : vector<16xf32> to vector<1x1x16xf32>
        tpu.vector_store %arg6[%parallel_loop3A_382, %parallel_loop3A_383, %parallel_loop3A_384], %parallel_loop3A_387 {strides = array<i32>} : memref<4x128x64xf32, #tpu.memory_space<vmem>>, vector<1x1x16xf32>,
      } {sc.loop_unroll_factor = 4 : i64, sc.parallel_access}
      %add3A_198 = arith.addi %mul3A_2, %add3A_167 : i32
      %mul3A_199 = arith.constant 128 : i32
      %mul3A_200 = arith.muli %add3A_198, %mul3A_199 : i32
      %dma_start3A_201 = arith.constant 1 : i32
      %dma_start3A_202 = arith.constant 1 : i32
      %dma_start3A_203 = arith.constant 0 : i32
      %dma_start3A_204 = arith.constant 0 : i32
      %dma_start3A_205 = tpu.memref_slice %arg6[%dma_start3A_201, %dma_start3A_203, %dma_start3A_204] : memref<4x128x64xf32, #tpu.memory_space<vmem>> -> memref<1x128x64xf32, #tpu.memory_space<vmem>>
      %dma_start3A_206 = tpu.memref_squeeze %dma_start3A_205 : memref<1x128x64xf32, #tpu.memory_space<vmem>> -> memref<128x64xf32, #tpu.memory_space<vmem>>
      %dma_start3A_207 = arith.constant 0 : i32
      %dma_start3A_208 = tpu.memref_slice %arg4[%mul3A_200, %dma_start3A_207] : memref<819200x64xf32, #tpu.memory_space<hbm>> -> memref<128x64xf32, #tpu.memory_space<hbm>>
      %dma_start3A_209 = tpu.memref_slice %arg8[%dma_start3A_202] : memref<4x!tpu.dma_semaphore, #tpu.memory_space<semaphore_mem>> -> memref<1x!tpu.dma_semaphore, #tpu.memory_space<semaphore_mem>>
      %dma_start3A_210 = tpu.memref_squeeze %dma_start3A_209 : memref<1x!tpu.dma_semaphore, #tpu.memory_space<semaphore_mem>> -> memref<!tpu.dma_semaphore, #tpu.memory_space<semaphore_mem>>
      %dma_start3A_211 = arith.constant 0 : i32
      %dma_start3A_212 = tpu.memref_slice %arg4[%mul3A_200, %dma_start3A_211] : memref<819200x64xf32, #tpu.memory_space<hbm>> -> memref<128x64xf32, #tpu.memory_space<hbm>>
      %dma_start3A_213 = arith.constant 0 : i32
      %dma_start3A_214 = arith.constant 0 : i32
      %dma_start3A_215 = tpu.memref_slice %arg6[%dma_start3A_201, %dma_start3A_213, %dma_start3A_214] : memref<4x128x64xf32, #tpu.memory_space<vmem>> -> memref<1x128x64xf32, #tpu.memory_space<vmem>>
      %dma_start3A_216 = tpu.memref_squeeze %dma_start3A_215 : memref<1x128x64xf32, #tpu.memory_space<vmem>> -> memref<128x64xf32, #tpu.memory_space<vmem>>
      tpu.enqueue_dma source(%dma_start3A_216 : memref<128x64xf32, #tpu.memory_space<vmem>>) target(%dma_start3A_212 : memref<128x64xf32, #tpu.memory_space<hbm>>) target_semaphore(%dma_start3A_210 : memref<!tpu.dma_semaphore, #tpu.memory_space<semaphore_mem>>)
      %mul3A_217 = arith.constant 4 : i32
      %mul3A_218 = arith.muli %scan3A_116, %mul3A_217 : i32
      %add3A_219 = arith.constant 2 : i32
      %add3A_220 = arith.addi %mul3A_218, %add3A_219 : i32
      %dma_wait3A_221 = arith.constant 2 : i32
      %dma_wait3A_222 = arith.constant 2 : i32
      %dma_wait3A_223 = arith.constant 0 : i32
      %dma_wait3A_224 = arith.constant 0 : i32
      %dma_wait3A_225 = tpu.memref_slice %arg6[%dma_wait3A_221, %dma_wait3A_223, %dma_wait3A_224] : memref<4x128x64xf32, #tpu.memory_space<vmem>> -> memref<1x128x64xf32, #tpu.memory_space<vmem>>
      %dma_wait3A_226 = tpu.memref_squeeze %dma_wait3A_225 : memref<1x128x64xf32, #tpu.memory_space<vmem>> -> memref<128x64xf32, #tpu.memory_space<vmem>>
      %dma_wait3A_227 = arith.constant 0 : i32
      %dma_wait3A_228 = tpu.memref_slice %arg5[%add3A_220, %dma_wait3A_227] : memref<200x128xi32, #tpu.memory_space<vmem>> -> memref<1x128xi32, #tpu.memory_space<vmem>>
      %dma_wait3A_229 = tpu.memref_squeeze %dma_wait3A_228 : memref<1x128xi32, #tpu.memory_space<vmem>> -> memref<128xi32, #tpu.memory_space<vmem>>
      %dma_wait3A_230 = arith.constant 0 : i32
      %dma_wait3A_231 = arith.constant 0 : i32
      %dma_wait3A_232 = tpu.memref_slice %arg3[%dma_wait3A_230, %dma_wait3A_231] : memref<1000000x64xf32, #tpu.memory_space<hbm>> -> memref<1000000x64xf32, #tpu.memory_space<hbm>>
      %dma_wait3A_233 = tpu.memref_slice %arg7[%dma_wait3A_222] : memref<4x!tpu.dma_semaphore, #tpu.memory_space<semaphore_mem>> -> memref<1x!tpu.dma_semaphore, #tpu.memory_space<semaphore_mem>>
      %dma_wait3A_234 = tpu.memref_squeeze %dma_wait3A_233 : memref<1x!tpu.dma_semaphore, #tpu.memory_space<semaphore_mem>> -> memref<!tpu.dma_semaphore, #tpu.memory_space<semaphore_mem>>
      tpu.wait_indirect_dma semaphore(%dma_wait3A_234 : memref<!tpu.dma_semaphore, #tpu.memory_space<semaphore_mem>>) src(%dma_wait3A_232 : memref<1000000x64xf32, #tpu.memory_space<hbm>>) dst(%dma_wait3A_226 : memref<128x64xf32, #tpu.memory_space<vmem>>)
      %ge3A_235 = arith.constant 2 : i32
      %ge3A_236 = arith.cmpi sge, %add3A_220, %ge3A_235 : i32
      %lt3A_237 = arith.constant 198 : i32
      %lt3A_238 = arith.cmpi slt, %add3A_220, %lt3A_237 : i32
      %and3A_239 = arith.andi %ge3A_236, %lt3A_238 : i1
      %convert_element_type3A_240 = arith.extui %and3A_239 : i1 to i32
      %cond3A_241 = arith.constant 0 : i32
      %cond3A_242 = arith.cmpi ne, %convert_element_type3A_240, %cond3A_241 : i32
      scf.if %cond3A_242 {
        %add3A_323 = arith.constant 0 : i32
        %add3A_324 = arith.addi %mul3A_2, %add3A_323 : i32
        %mul3A_325 = arith.constant 128 : i32
        %mul3A_326 = arith.muli %add3A_324, %mul3A_325 : i32
        %dma_wait3A_327 = arith.constant 0 : i32
        %dma_wait3A_328 = arith.constant 0 : i32
        %dma_wait3A_329 = arith.constant 0 : i32
        %dma_wait3A_330 = arith.constant 0 : i32
        %dma_wait3A_331 = tpu.memref_slice %arg6[%dma_wait3A_327, %dma_wait3A_329, %dma_wait3A_330] : memref<4x128x64xf32, #tpu.memory_space<vmem>> -> memref<1x128x64xf32, #tpu.memory_space<vmem>>
        %dma_wait3A_332 = tpu.memref_squeeze %dma_wait3A_331 : memref<1x128x64xf32, #tpu.memory_space<vmem>> -> memref<128x64xf32, #tpu.memory_space<vmem>>
        %dma_wait3A_333 = arith.constant 0 : i32
        %dma_wait3A_334 = tpu.memref_slice %arg4[%mul3A_326, %dma_wait3A_333] : memref<819200x64xf32, #tpu.memory_space<hbm>> -> memref<128x64xf32, #tpu.memory_space<hbm>>
        %dma_wait3A_335 = tpu.memref_slice %arg8[%dma_wait3A_328] : memref<4x!tpu.dma_semaphore, #tpu.memory_space<semaphore_mem>> -> memref<1x!tpu.dma_semaphore, #tpu.memory_space<semaphore_mem>>
        %dma_wait3A_336 = tpu.memref_squeeze %dma_wait3A_335 : memref<1x!tpu.dma_semaphore, #tpu.memory_space<semaphore_mem>> -> memref<!tpu.dma_semaphore, #tpu.memory_space<semaphore_mem>>
        %dma_wait3A_337 = arith.constant 0 : i32
        %dma_wait3A_338 = tpu.memref_slice %arg4[%mul3A_326, %dma_wait3A_337] : memref<819200x64xf32, #tpu.memory_space<hbm>> -> memref<128x64xf32, #tpu.memory_space<hbm>>
        %dma_wait3A_339 = arith.constant 0 : i32
        %dma_wait3A_340 = arith.constant 0 : i32
        %dma_wait3A_341 = tpu.memref_slice %arg6[%dma_wait3A_327, %dma_wait3A_339, %dma_wait3A_340] : memref<4x128x64xf32, #tpu.memory_space<vmem>> -> memref<1x128x64xf32, #tpu.memory_space<vmem>>
        %dma_wait3A_342 = tpu.memref_squeeze %dma_wait3A_341 : memref<1x128x64xf32, #tpu.memory_space<vmem>> -> memref<128x64xf32, #tpu.memory_space<vmem>>
        tpu.wait_dma2 semaphore(%dma_wait3A_336 : memref<!tpu.dma_semaphore, #tpu.memory_space<semaphore_mem>>) src(%dma_wait3A_342 : memref<128x64xf32, #tpu.memory_space<vmem>>) dst(%dma_wait3A_338 : memref<128x64xf32, #tpu.memory_space<hbm>>)
      } else {
      }
      %lt3A_243 = arith.constant 198 : i32
      %lt3A_244 = arith.cmpi slt, %add3A_220, %lt3A_243 : i32
      %convert_element_type3A_245 = arith.extui %lt3A_244 : i1 to i32
      %cond3A_246 = arith.constant 0 : i32
      %cond3A_247 = arith.cmpi ne, %convert_element_type3A_245, %cond3A_246 : i32
      scf.if %cond3A_247 {
        %add3A_323 = arith.constant 2 : i32
        %add3A_324 = arith.addi %add3A_220, %add3A_323 : i32
        %dma_start3A_325 = arith.constant 0 : i32
        %dma_start3A_326 = arith.constant 0 : i32
        %dma_start3A_327 = arith.constant 0 : i32
        %dma_start3A_328 = arith.constant 0 : i32
        %dma_start3A_329 = tpu.memref_slice %arg6[%dma_start3A_325, %dma_start3A_327, %dma_start3A_328] : memref<4x128x64xf32, #tpu.memory_space<vmem>> -> memref<1x128x64xf32, #tpu.memory_space<vmem>>
        %dma_start3A_330 = tpu.memref_squeeze %dma_start3A_329 : memref<1x128x64xf32, #tpu.memory_space<vmem>> -> memref<128x64xf32, #tpu.memory_space<vmem>>
        %dma_start3A_331 = arith.constant 0 : i32
        %dma_start3A_332 = tpu.memref_slice %arg5[%add3A_324, %dma_start3A_331] : memref<200x128xi32, #tpu.memory_space<vmem>> -> memref<1x128xi32, #tpu.memory_space<vmem>>
        %dma_start3A_333 = tpu.memref_squeeze %dma_start3A_332 : memref<1x128xi32, #tpu.memory_space<vmem>> -> memref<128xi32, #tpu.memory_space<vmem>>
        %dma_start3A_334 = arith.constant 0 : i32
        %dma_start3A_335 = arith.constant 0 : i32
        %dma_start3A_336 = tpu.memref_slice %arg3[%dma_start3A_334, %dma_start3A_335] : memref<1000000x64xf32, #tpu.memory_space<hbm>> -> memref<1000000x64xf32, #tpu.memory_space<hbm>>
        %dma_start3A_337 = tpu.memref_slice %arg7[%dma_start3A_326] : memref<4x!tpu.dma_semaphore, #tpu.memory_space<semaphore_mem>> -> memref<1x!tpu.dma_semaphore, #tpu.memory_space<semaphore_mem>>
        %dma_start3A_338 = tpu.memref_squeeze %dma_start3A_337 : memref<1x!tpu.dma_semaphore, #tpu.memory_space<semaphore_mem>> -> memref<!tpu.dma_semaphore, #tpu.memory_space<semaphore_mem>>
        tpu.enqueue_indirect_dma source(%dma_start3A_336 : memref<1000000x64xf32, #tpu.memory_space<hbm>>) target(%dma_start3A_330 : memref<128x64xf32, #tpu.memory_space<vmem>>) offsets(%dma_start3A_333 : memref<128xi32, #tpu.memory_space<vmem>>) semaphore(%dma_start3A_338 : memref<!tpu.dma_semaphore, #tpu.memory_space<semaphore_mem>>)
      } else {
      }
      %parallel_loop3A_248 = arith.constant 0 : i32
      %parallel_loop3A_249 = arith.constant 128 : i32
      %parallel_loop3A_250 = arith.constant 1 : i32
      scf.for %parallel_loop3A_323 = %parallel_loop3A_248 to %parallel_loop3A_249 step %parallel_loop3A_250  : i32 {
        %parallel_loop3A_324 = arith.constant 2 : i32
        %parallel_loop3A_325 = arith.index_cast %parallel_loop3A_324 : i32 to index
        %parallel_loop3A_326 = arith.index_cast %parallel_loop3A_323 : i32 to index
        %parallel_loop3A_327 = arith.constant 0 : index
        %parallel_loop3A_328 = tpu.vector_load %arg6[%parallel_loop3A_325, %parallel_loop3A_326, %parallel_loop3A_327] {strides = array<i32>} : memref<4x128x64xf32, #tpu.memory_space<vmem>>, vector<1x1x16xf32>,
        %parallel_loop3A_329 = vector.shape_cast %parallel_loop3A_328 : vector<1x1x16xf32> to vector<16xf32>
        %parallel_loop3A_330 = arith.constant 8.000000e+00 : f32
        %parallel_loop3A_331 = vector.broadcast %parallel_loop3A_330 : f32 to vector<16xf32>
        %parallel_loop3A_332 = arith.mulf %parallel_loop3A_329, %parallel_loop3A_331 : vector<16xf32>
        %parallel_loop3A_333 = arith.constant 2 : i32
        %parallel_loop3A_334 = arith.index_cast %parallel_loop3A_333 : i32 to index
        %parallel_loop3A_335 = arith.index_cast %parallel_loop3A_323 : i32 to index
        %parallel_loop3A_336 = arith.constant 0 : index
        %parallel_loop3A_337 = tpu.vector_load %arg6[%parallel_loop3A_334, %parallel_loop3A_335, %parallel_loop3A_336] {strides = array<i32>} : memref<4x128x64xf32, #tpu.memory_space<vmem>>, vector<1x1x16xf32>,
        %parallel_loop3A_338 = vector.shape_cast %parallel_loop3A_337 : vector<1x1x16xf32> to vector<16xf32>
        %parallel_loop3A_339 = vector.shape_cast %parallel_loop3A_332 : vector<16xf32> to vector<1x1x16xf32>
        tpu.vector_store %arg6[%parallel_loop3A_334, %parallel_loop3A_335, %parallel_loop3A_336], %parallel_loop3A_339 {strides = array<i32>} : memref<4x128x64xf32, #tpu.memory_space<vmem>>, vector<1x1x16xf32>,
        %parallel_loop3A_340 = arith.constant 2 : i32
        %parallel_loop3A_341 = arith.index_cast %parallel_loop3A_340 : i32 to index
        %parallel_loop3A_342 = arith.index_cast %parallel_loop3A_323 : i32 to index
        %parallel_loop3A_343 = arith.constant 16 : index
        %parallel_loop3A_344 = tpu.vector_load %arg6[%parallel_loop3A_341, %parallel_loop3A_342, %parallel_loop3A_343] {strides = array<i32>} : memref<4x128x64xf32, #tpu.memory_space<vmem>>, vector<1x1x16xf32>,
        %parallel_loop3A_345 = vector.shape_cast %parallel_loop3A_344 : vector<1x1x16xf32> to vector<16xf32>
        %parallel_loop3A_346 = arith.constant 8.000000e+00 : f32
        %parallel_loop3A_347 = vector.broadcast %parallel_loop3A_346 : f32 to vector<16xf32>
        %parallel_loop3A_348 = arith.mulf %parallel_loop3A_345, %parallel_loop3A_347 : vector<16xf32>
        %parallel_loop3A_349 = arith.constant 2 : i32
        %parallel_loop3A_350 = arith.index_cast %parallel_loop3A_349 : i32 to index
        %parallel_loop3A_351 = arith.index_cast %parallel_loop3A_323 : i32 to index
        %parallel_loop3A_352 = arith.constant 16 : index
        %parallel_loop3A_353 = tpu.vector_load %arg6[%parallel_loop3A_350, %parallel_loop3A_351, %parallel_loop3A_352] {strides = array<i32>} : memref<4x128x64xf32, #tpu.memory_space<vmem>>, vector<1x1x16xf32>,
        %parallel_loop3A_354 = vector.shape_cast %parallel_loop3A_353 : vector<1x1x16xf32> to vector<16xf32>
        %parallel_loop3A_355 = vector.shape_cast %parallel_loop3A_348 : vector<16xf32> to vector<1x1x16xf32>
        tpu.vector_store %arg6[%parallel_loop3A_350, %parallel_loop3A_351, %parallel_loop3A_352], %parallel_loop3A_355 {strides = array<i32>} : memref<4x128x64xf32, #tpu.memory_space<vmem>>, vector<1x1x16xf32>,
        %parallel_loop3A_356 = arith.constant 2 : i32
        %parallel_loop3A_357 = arith.index_cast %parallel_loop3A_356 : i32 to index
        %parallel_loop3A_358 = arith.index_cast %parallel_loop3A_323 : i32 to index
        %parallel_loop3A_359 = arith.constant 32 : index
        %parallel_loop3A_360 = tpu.vector_load %arg6[%parallel_loop3A_357, %parallel_loop3A_358, %parallel_loop3A_359] {strides = array<i32>} : memref<4x128x64xf32, #tpu.memory_space<vmem>>, vector<1x1x16xf32>,
        %parallel_loop3A_361 = vector.shape_cast %parallel_loop3A_360 : vector<1x1x16xf32> to vector<16xf32>
        %parallel_loop3A_362 = arith.constant 8.000000e+00 : f32
        %parallel_loop3A_363 = vector.broadcast %parallel_loop3A_362 : f32 to vector<16xf32>
        %parallel_loop3A_364 = arith.mulf %parallel_loop3A_361, %parallel_loop3A_363 : vector<16xf32>
        %parallel_loop3A_365 = arith.constant 2 : i32
        %parallel_loop3A_366 = arith.index_cast %parallel_loop3A_365 : i32 to index
        %parallel_loop3A_367 = arith.index_cast %parallel_loop3A_323 : i32 to index
        %parallel_loop3A_368 = arith.constant 32 : index
        %parallel_loop3A_369 = tpu.vector_load %arg6[%parallel_loop3A_366, %parallel_loop3A_367, %parallel_loop3A_368] {strides = array<i32>} : memref<4x128x64xf32, #tpu.memory_space<vmem>>, vector<1x1x16xf32>,
        %parallel_loop3A_370 = vector.shape_cast %parallel_loop3A_369 : vector<1x1x16xf32> to vector<16xf32>
        %parallel_loop3A_371 = vector.shape_cast %parallel_loop3A_364 : vector<16xf32> to vector<1x1x16xf32>
        tpu.vector_store %arg6[%parallel_loop3A_366, %parallel_loop3A_367, %parallel_loop3A_368], %parallel_loop3A_371 {strides = array<i32>} : memref<4x128x64xf32, #tpu.memory_space<vmem>>, vector<1x1x16xf32>,
        %parallel_loop3A_372 = arith.constant 2 : i32
        %parallel_loop3A_373 = arith.index_cast %parallel_loop3A_372 : i32 to index
        %parallel_loop3A_374 = arith.index_cast %parallel_loop3A_323 : i32 to index
        %parallel_loop3A_375 = arith.constant 48 : index
        %parallel_loop3A_376 = tpu.vector_load %arg6[%parallel_loop3A_373, %parallel_loop3A_374, %parallel_loop3A_375] {strides = array<i32>} : memref<4x128x64xf32, #tpu.memory_space<vmem>>, vector<1x1x16xf32>,
        %parallel_loop3A_377 = vector.shape_cast %parallel_loop3A_376 : vector<1x1x16xf32> to vector<16xf32>
        %parallel_loop3A_378 = arith.constant 8.000000e+00 : f32
        %parallel_loop3A_379 = vector.broadcast %parallel_loop3A_378 : f32 to vector<16xf32>
        %parallel_loop3A_380 = arith.mulf %parallel_loop3A_377, %parallel_loop3A_379 : vector<16xf32>
        %parallel_loop3A_381 = arith.constant 2 : i32
        %parallel_loop3A_382 = arith.index_cast %parallel_loop3A_381 : i32 to index
        %parallel_loop3A_383 = arith.index_cast %parallel_loop3A_323 : i32 to index
        %parallel_loop3A_384 = arith.constant 48 : index
        %parallel_loop3A_385 = tpu.vector_load %arg6[%parallel_loop3A_382, %parallel_loop3A_383, %parallel_loop3A_384] {strides = array<i32>} : memref<4x128x64xf32, #tpu.memory_space<vmem>>, vector<1x1x16xf32>,
        %parallel_loop3A_386 = vector.shape_cast %parallel_loop3A_385 : vector<1x1x16xf32> to vector<16xf32>
        %parallel_loop3A_387 = vector.shape_cast %parallel_loop3A_380 : vector<16xf32> to vector<1x1x16xf32>
        tpu.vector_store %arg6[%parallel_loop3A_382, %parallel_loop3A_383, %parallel_loop3A_384], %parallel_loop3A_387 {strides = array<i32>} : memref<4x128x64xf32, #tpu.memory_space<vmem>>, vector<1x1x16xf32>,
      } {sc.loop_unroll_factor = 4 : i64, sc.parallel_access}
      %add3A_251 = arith.addi %mul3A_2, %add3A_220 : i32
      %mul3A_252 = arith.constant 128 : i32
      %mul3A_253 = arith.muli %add3A_251, %mul3A_252 : i32
      %dma_start3A_254 = arith.constant 2 : i32
      %dma_start3A_255 = arith.constant 2 : i32
      %dma_start3A_256 = arith.constant 0 : i32
      %dma_start3A_257 = arith.constant 0 : i32
      %dma_start3A_258 = tpu.memref_slice %arg6[%dma_start3A_254, %dma_start3A_256, %dma_start3A_257] : memref<4x128x64xf32, #tpu.memory_space<vmem>> -> memref<1x128x64xf32, #tpu.memory_space<vmem>>
      %dma_start3A_259 = tpu.memref_squeeze %dma_start3A_258 : memref<1x128x64xf32, #tpu.memory_space<vmem>> -> memref<128x64xf32, #tpu.memory_space<vmem>>
      %dma_start3A_260 = arith.constant 0 : i32
      %dma_start3A_261 = tpu.memref_slice %arg4[%mul3A_253, %dma_start3A_260] : memref<819200x64xf32, #tpu.memory_space<hbm>> -> memref<128x64xf32, #tpu.memory_space<hbm>>
      %dma_start3A_262 = tpu.memref_slice %arg8[%dma_start3A_255] : memref<4x!tpu.dma_semaphore, #tpu.memory_space<semaphore_mem>> -> memref<1x!tpu.dma_semaphore, #tpu.memory_space<semaphore_mem>>
      %dma_start3A_263 = tpu.memref_squeeze %dma_start3A_262 : memref<1x!tpu.dma_semaphore, #tpu.memory_space<semaphore_mem>> -> memref<!tpu.dma_semaphore, #tpu.memory_space<semaphore_mem>>
      %dma_start3A_264 = arith.constant 0 : i32
      %dma_start3A_265 = tpu.memref_slice %arg4[%mul3A_253, %dma_start3A_264] : memref<819200x64xf32, #tpu.memory_space<hbm>> -> memref<128x64xf32, #tpu.memory_space<hbm>>
      %dma_start3A_266 = arith.constant 0 : i32
      %dma_start3A_267 = arith.constant 0 : i32
      %dma_start3A_268 = tpu.memref_slice %arg6[%dma_start3A_254, %dma_start3A_266, %dma_start3A_267] : memref<4x128x64xf32, #tpu.memory_space<vmem>> -> memref<1x128x64xf32, #tpu.memory_space<vmem>>
      %dma_start3A_269 = tpu.memref_squeeze %dma_start3A_268 : memref<1x128x64xf32, #tpu.memory_space<vmem>> -> memref<128x64xf32, #tpu.memory_space<vmem>>
      tpu.enqueue_dma source(%dma_start3A_269 : memref<128x64xf32, #tpu.memory_space<vmem>>) target(%dma_start3A_265 : memref<128x64xf32, #tpu.memory_space<hbm>>) target_semaphore(%dma_start3A_263 : memref<!tpu.dma_semaphore, #tpu.memory_space<semaphore_mem>>)
      %mul3A_270 = arith.constant 4 : i32
      %mul3A_271 = arith.muli %scan3A_116, %mul3A_270 : i32
      %add3A_272 = arith.constant 3 : i32
      %add3A_273 = arith.addi %mul3A_271, %add3A_272 : i32
      %dma_wait3A_274 = arith.constant 3 : i32
      %dma_wait3A_275 = arith.constant 3 : i32
      %dma_wait3A_276 = arith.constant 0 : i32
      %dma_wait3A_277 = arith.constant 0 : i32
      %dma_wait3A_278 = tpu.memref_slice %arg6[%dma_wait3A_274, %dma_wait3A_276, %dma_wait3A_277] : memref<4x128x64xf32, #tpu.memory_space<vmem>> -> memref<1x128x64xf32, #tpu.memory_space<vmem>>
      %dma_wait3A_279 = tpu.memref_squeeze %dma_wait3A_278 : memref<1x128x64xf32, #tpu.memory_space<vmem>> -> memref<128x64xf32, #tpu.memory_space<vmem>>
      %dma_wait3A_280 = arith.constant 0 : i32
      %dma_wait3A_281 = tpu.memref_slice %arg5[%add3A_273, %dma_wait3A_280] : memref<200x128xi32, #tpu.memory_space<vmem>> -> memref<1x128xi32, #tpu.memory_space<vmem>>
      %dma_wait3A_282 = tpu.memref_squeeze %dma_wait3A_281 : memref<1x128xi32, #tpu.memory_space<vmem>> -> memref<128xi32, #tpu.memory_space<vmem>>
      %dma_wait3A_283 = arith.constant 0 : i32
      %dma_wait3A_284 = arith.constant 0 : i32
      %dma_wait3A_285 = tpu.memref_slice %arg3[%dma_wait3A_283, %dma_wait3A_284] : memref<1000000x64xf32, #tpu.memory_space<hbm>> -> memref<1000000x64xf32, #tpu.memory_space<hbm>>
      %dma_wait3A_286 = tpu.memref_slice %arg7[%dma_wait3A_275] : memref<4x!tpu.dma_semaphore, #tpu.memory_space<semaphore_mem>> -> memref<1x!tpu.dma_semaphore, #tpu.memory_space<semaphore_mem>>
      %dma_wait3A_287 = tpu.memref_squeeze %dma_wait3A_286 : memref<1x!tpu.dma_semaphore, #tpu.memory_space<semaphore_mem>> -> memref<!tpu.dma_semaphore, #tpu.memory_space<semaphore_mem>>
      tpu.wait_indirect_dma semaphore(%dma_wait3A_287 : memref<!tpu.dma_semaphore, #tpu.memory_space<semaphore_mem>>) src(%dma_wait3A_285 : memref<1000000x64xf32, #tpu.memory_space<hbm>>) dst(%dma_wait3A_279 : memref<128x64xf32, #tpu.memory_space<vmem>>)
      %ge3A_288 = arith.constant 2 : i32
      %ge3A_289 = arith.cmpi sge, %add3A_273, %ge3A_288 : i32
      %lt3A_290 = arith.constant 198 : i32
      %lt3A_291 = arith.cmpi slt, %add3A_273, %lt3A_290 : i32
      %and3A_292 = arith.andi %ge3A_289, %lt3A_291 : i1
      %convert_element_type3A_293 = arith.extui %and3A_292 : i1 to i32
      %cond3A_294 = arith.constant 0 : i32
      %cond3A_295 = arith.cmpi ne, %convert_element_type3A_293, %cond3A_294 : i32
      scf.if %cond3A_295 {
        %add3A_323 = arith.constant 0 : i32
        %add3A_324 = arith.addi %mul3A_2, %add3A_323 : i32
        %mul3A_325 = arith.constant 128 : i32
        %mul3A_326 = arith.muli %add3A_324, %mul3A_325 : i32
        %dma_wait3A_327 = arith.constant 1 : i32
        %dma_wait3A_328 = arith.constant 1 : i32
        %dma_wait3A_329 = arith.constant 0 : i32
        %dma_wait3A_330 = arith.constant 0 : i32
        %dma_wait3A_331 = tpu.memref_slice %arg6[%dma_wait3A_327, %dma_wait3A_329, %dma_wait3A_330] : memref<4x128x64xf32, #tpu.memory_space<vmem>> -> memref<1x128x64xf32, #tpu.memory_space<vmem>>
        %dma_wait3A_332 = tpu.memref_squeeze %dma_wait3A_331 : memref<1x128x64xf32, #tpu.memory_space<vmem>> -> memref<128x64xf32, #tpu.memory_space<vmem>>
        %dma_wait3A_333 = arith.constant 0 : i32
        %dma_wait3A_334 = tpu.memref_slice %arg4[%mul3A_326, %dma_wait3A_333] : memref<819200x64xf32, #tpu.memory_space<hbm>> -> memref<128x64xf32, #tpu.memory_space<hbm>>
        %dma_wait3A_335 = tpu.memref_slice %arg8[%dma_wait3A_328] : memref<4x!tpu.dma_semaphore, #tpu.memory_space<semaphore_mem>> -> memref<1x!tpu.dma_semaphore, #tpu.memory_space<semaphore_mem>>
        %dma_wait3A_336 = tpu.memref_squeeze %dma_wait3A_335 : memref<1x!tpu.dma_semaphore, #tpu.memory_space<semaphore_mem>> -> memref<!tpu.dma_semaphore, #tpu.memory_space<semaphore_mem>>
        %dma_wait3A_337 = arith.constant 0 : i32
        %dma_wait3A_338 = tpu.memref_slice %arg4[%mul3A_326, %dma_wait3A_337] : memref<819200x64xf32, #tpu.memory_space<hbm>> -> memref<128x64xf32, #tpu.memory_space<hbm>>
        %dma_wait3A_339 = arith.constant 0 : i32
        %dma_wait3A_340 = arith.constant 0 : i32
        %dma_wait3A_341 = tpu.memref_slice %arg6[%dma_wait3A_327, %dma_wait3A_339, %dma_wait3A_340] : memref<4x128x64xf32, #tpu.memory_space<vmem>> -> memref<1x128x64xf32, #tpu.memory_space<vmem>>
        %dma_wait3A_342 = tpu.memref_squeeze %dma_wait3A_341 : memref<1x128x64xf32, #tpu.memory_space<vmem>> -> memref<128x64xf32, #tpu.memory_space<vmem>>
        tpu.wait_dma2 semaphore(%dma_wait3A_336 : memref<!tpu.dma_semaphore, #tpu.memory_space<semaphore_mem>>) src(%dma_wait3A_342 : memref<128x64xf32, #tpu.memory_space<vmem>>) dst(%dma_wait3A_338 : memref<128x64xf32, #tpu.memory_space<hbm>>)
      } else {
      }
      %lt3A_296 = arith.constant 198 : i32
      %lt3A_297 = arith.cmpi slt, %add3A_273, %lt3A_296 : i32
      %convert_element_type3A_298 = arith.extui %lt3A_297 : i1 to i32
      %cond3A_299 = arith.constant 0 : i32
      %cond3A_300 = arith.cmpi ne, %convert_element_type3A_298, %cond3A_299 : i32
      scf.if %cond3A_300 {
        %add3A_323 = arith.constant 2 : i32
        %add3A_324 = arith.addi %add3A_273, %add3A_323 : i32
        %dma_start3A_325 = arith.constant 1 : i32
        %dma_start3A_326 = arith.constant 1 : i32
        %dma_start3A_327 = arith.constant 0 : i32
        %dma_start3A_328 = arith.constant 0 : i32
        %dma_start3A_329 = tpu.memref_slice %arg6[%dma_start3A_325, %dma_start3A_327, %dma_start3A_328] : memref<4x128x64xf32, #tpu.memory_space<vmem>> -> memref<1x128x64xf32, #tpu.memory_space<vmem>>
        %dma_start3A_330 = tpu.memref_squeeze %dma_start3A_329 : memref<1x128x64xf32, #tpu.memory_space<vmem>> -> memref<128x64xf32, #tpu.memory_space<vmem>>
        %dma_start3A_331 = arith.constant 0 : i32
        %dma_start3A_332 = tpu.memref_slice %arg5[%add3A_324, %dma_start3A_331] : memref<200x128xi32, #tpu.memory_space<vmem>> -> memref<1x128xi32, #tpu.memory_space<vmem>>
        %dma_start3A_333 = tpu.memref_squeeze %dma_start3A_332 : memref<1x128xi32, #tpu.memory_space<vmem>> -> memref<128xi32, #tpu.memory_space<vmem>>
        %dma_start3A_334 = arith.constant 0 : i32
        %dma_start3A_335 = arith.constant 0 : i32
        %dma_start3A_336 = tpu.memref_slice %arg3[%dma_start3A_334, %dma_start3A_335] : memref<1000000x64xf32, #tpu.memory_space<hbm>> -> memref<1000000x64xf32, #tpu.memory_space<hbm>>
        %dma_start3A_337 = tpu.memref_slice %arg7[%dma_start3A_326] : memref<4x!tpu.dma_semaphore, #tpu.memory_space<semaphore_mem>> -> memref<1x!tpu.dma_semaphore, #tpu.memory_space<semaphore_mem>>
        %dma_start3A_338 = tpu.memref_squeeze %dma_start3A_337 : memref<1x!tpu.dma_semaphore, #tpu.memory_space<semaphore_mem>> -> memref<!tpu.dma_semaphore, #tpu.memory_space<semaphore_mem>>
        tpu.enqueue_indirect_dma source(%dma_start3A_336 : memref<1000000x64xf32, #tpu.memory_space<hbm>>) target(%dma_start3A_330 : memref<128x64xf32, #tpu.memory_space<vmem>>) offsets(%dma_start3A_333 : memref<128xi32, #tpu.memory_space<vmem>>) semaphore(%dma_start3A_338 : memref<!tpu.dma_semaphore, #tpu.memory_space<semaphore_mem>>)
      } else {
      }
      %parallel_loop3A_301 = arith.constant 0 : i32
      %parallel_loop3A_302 = arith.constant 128 : i32
      %parallel_loop3A_303 = arith.constant 1 : i32
      scf.for %parallel_loop3A_323 = %parallel_loop3A_301 to %parallel_loop3A_302 step %parallel_loop3A_303  : i32 {
        %parallel_loop3A_324 = arith.constant 3 : i32
        %parallel_loop3A_325 = arith.index_cast %parallel_loop3A_324 : i32 to index
        %parallel_loop3A_326 = arith.index_cast %parallel_loop3A_323 : i32 to index
        %parallel_loop3A_327 = arith.constant 0 : index
        %parallel_loop3A_328 = tpu.vector_load %arg6[%parallel_loop3A_325, %parallel_loop3A_326, %parallel_loop3A_327] {strides = array<i32>} : memref<4x128x64xf32, #tpu.memory_space<vmem>>, vector<1x1x16xf32>,
        %parallel_loop3A_329 = vector.shape_cast %parallel_loop3A_328 : vector<1x1x16xf32> to vector<16xf32>
        %parallel_loop3A_330 = arith.constant 8.000000e+00 : f32
        %parallel_loop3A_331 = vector.broadcast %parallel_loop3A_330 : f32 to vector<16xf32>
        %parallel_loop3A_332 = arith.mulf %parallel_loop3A_329, %parallel_loop3A_331 : vector<16xf32>
        %parallel_loop3A_333 = arith.constant 3 : i32
        %parallel_loop3A_334 = arith.index_cast %parallel_loop3A_333 : i32 to index
        %parallel_loop3A_335 = arith.index_cast %parallel_loop3A_323 : i32 to index
        %parallel_loop3A_336 = arith.constant 0 : index
        %parallel_loop3A_337 = tpu.vector_load %arg6[%parallel_loop3A_334, %parallel_loop3A_335, %parallel_loop3A_336] {strides = array<i32>} : memref<4x128x64xf32, #tpu.memory_space<vmem>>, vector<1x1x16xf32>,
        %parallel_loop3A_338 = vector.shape_cast %parallel_loop3A_337 : vector<1x1x16xf32> to vector<16xf32>
        %parallel_loop3A_339 = vector.shape_cast %parallel_loop3A_332 : vector<16xf32> to vector<1x1x16xf32>
        tpu.vector_store %arg6[%parallel_loop3A_334, %parallel_loop3A_335, %parallel_loop3A_336], %parallel_loop3A_339 {strides = array<i32>} : memref<4x128x64xf32, #tpu.memory_space<vmem>>, vector<1x1x16xf32>,
        %parallel_loop3A_340 = arith.constant 3 : i32
        %parallel_loop3A_341 = arith.index_cast %parallel_loop3A_340 : i32 to index
        %parallel_loop3A_342 = arith.index_cast %parallel_loop3A_323 : i32 to index
        %parallel_loop3A_343 = arith.constant 16 : index
        %parallel_loop3A_344 = tpu.vector_load %arg6[%parallel_loop3A_341, %parallel_loop3A_342, %parallel_loop3A_343] {strides = array<i32>} : memref<4x128x64xf32, #tpu.memory_space<vmem>>, vector<1x1x16xf32>,
        %parallel_loop3A_345 = vector.shape_cast %parallel_loop3A_344 : vector<1x1x16xf32> to vector<16xf32>
        %parallel_loop3A_346 = arith.constant 8.000000e+00 : f32
        %parallel_loop3A_347 = vector.broadcast %parallel_loop3A_346 : f32 to vector<16xf32>
        %parallel_loop3A_348 = arith.mulf %parallel_loop3A_345, %parallel_loop3A_347 : vector<16xf32>
        %parallel_loop3A_349 = arith.constant 3 : i32
        %parallel_loop3A_350 = arith.index_cast %parallel_loop3A_349 : i32 to index
        %parallel_loop3A_351 = arith.index_cast %parallel_loop3A_323 : i32 to index
        %parallel_loop3A_352 = arith.constant 16 : index
        %parallel_loop3A_353 = tpu.vector_load %arg6[%parallel_loop3A_350, %parallel_loop3A_351, %parallel_loop3A_352] {strides = array<i32>} : memref<4x128x64xf32, #tpu.memory_space<vmem>>, vector<1x1x16xf32>,
        %parallel_loop3A_354 = vector.shape_cast %parallel_loop3A_353 : vector<1x1x16xf32> to vector<16xf32>
        %parallel_loop3A_355 = vector.shape_cast %parallel_loop3A_348 : vector<16xf32> to vector<1x1x16xf32>
        tpu.vector_store %arg6[%parallel_loop3A_350, %parallel_loop3A_351, %parallel_loop3A_352], %parallel_loop3A_355 {strides = array<i32>} : memref<4x128x64xf32, #tpu.memory_space<vmem>>, vector<1x1x16xf32>,
        %parallel_loop3A_356 = arith.constant 3 : i32
        %parallel_loop3A_357 = arith.index_cast %parallel_loop3A_356 : i32 to index
        %parallel_loop3A_358 = arith.index_cast %parallel_loop3A_323 : i32 to index
        %parallel_loop3A_359 = arith.constant 32 : index
        %parallel_loop3A_360 = tpu.vector_load %arg6[%parallel_loop3A_357, %parallel_loop3A_358, %parallel_loop3A_359] {strides = array<i32>} : memref<4x128x64xf32, #tpu.memory_space<vmem>>, vector<1x1x16xf32>,
        %parallel_loop3A_361 = vector.shape_cast %parallel_loop3A_360 : vector<1x1x16xf32> to vector<16xf32>
        %parallel_loop3A_362 = arith.constant 8.000000e+00 : f32
        %parallel_loop3A_363 = vector.broadcast %parallel_loop3A_362 : f32 to vector<16xf32>
        %parallel_loop3A_364 = arith.mulf %parallel_loop3A_361, %parallel_loop3A_363 : vector<16xf32>
        %parallel_loop3A_365 = arith.constant 3 : i32
        %parallel_loop3A_366 = arith.index_cast %parallel_loop3A_365 : i32 to index
        %parallel_loop3A_367 = arith.index_cast %parallel_loop3A_323 : i32 to index
        %parallel_loop3A_368 = arith.constant 32 : index
        %parallel_loop3A_369 = tpu.vector_load %arg6[%parallel_loop3A_366, %parallel_loop3A_367, %parallel_loop3A_368] {strides = array<i32>} : memref<4x128x64xf32, #tpu.memory_space<vmem>>, vector<1x1x16xf32>,
        %parallel_loop3A_370 = vector.shape_cast %parallel_loop3A_369 : vector<1x1x16xf32> to vector<16xf32>
        %parallel_loop3A_371 = vector.shape_cast %parallel_loop3A_364 : vector<16xf32> to vector<1x1x16xf32>
        tpu.vector_store %arg6[%parallel_loop3A_366, %parallel_loop3A_367, %parallel_loop3A_368], %parallel_loop3A_371 {strides = array<i32>} : memref<4x128x64xf32, #tpu.memory_space<vmem>>, vector<1x1x16xf32>,
        %parallel_loop3A_372 = arith.constant 3 : i32
        %parallel_loop3A_373 = arith.index_cast %parallel_loop3A_372 : i32 to index
        %parallel_loop3A_374 = arith.index_cast %parallel_loop3A_323 : i32 to index
        %parallel_loop3A_375 = arith.constant 48 : index
        %parallel_loop3A_376 = tpu.vector_load %arg6[%parallel_loop3A_373, %parallel_loop3A_374, %parallel_loop3A_375] {strides = array<i32>} : memref<4x128x64xf32, #tpu.memory_space<vmem>>, vector<1x1x16xf32>,
        %parallel_loop3A_377 = vector.shape_cast %parallel_loop3A_376 : vector<1x1x16xf32> to vector<16xf32>
        %parallel_loop3A_378 = arith.constant 8.000000e+00 : f32
        %parallel_loop3A_379 = vector.broadcast %parallel_loop3A_378 : f32 to vector<16xf32>
        %parallel_loop3A_380 = arith.mulf %parallel_loop3A_377, %parallel_loop3A_379 : vector<16xf32>
        %parallel_loop3A_381 = arith.constant 3 : i32
        %parallel_loop3A_382 = arith.index_cast %parallel_loop3A_381 : i32 to index
        %parallel_loop3A_383 = arith.index_cast %parallel_loop3A_323 : i32 to index
        %parallel_loop3A_384 = arith.constant 48 : index
        %parallel_loop3A_385 = tpu.vector_load %arg6[%parallel_loop3A_382, %parallel_loop3A_383, %parallel_loop3A_384] {strides = array<i32>} : memref<4x128x64xf32, #tpu.memory_space<vmem>>, vector<1x1x16xf32>,
        %parallel_loop3A_386 = vector.shape_cast %parallel_loop3A_385 : vector<1x1x16xf32> to vector<16xf32>
        %parallel_loop3A_387 = vector.shape_cast %parallel_loop3A_380 : vector<16xf32> to vector<1x1x16xf32>
        tpu.vector_store %arg6[%parallel_loop3A_382, %parallel_loop3A_383, %parallel_loop3A_384], %parallel_loop3A_387 {strides = array<i32>} : memref<4x128x64xf32, #tpu.memory_space<vmem>>, vector<1x1x16xf32>,
      } {sc.loop_unroll_factor = 4 : i64, sc.parallel_access}
      %add3A_304 = arith.addi %mul3A_2, %add3A_273 : i32
      %mul3A_305 = arith.constant 128 : i32
      %mul3A_306 = arith.muli %add3A_304, %mul3A_305 : i32
      %dma_start3A_307 = arith.constant 3 : i32
      %dma_start3A_308 = arith.constant 3 : i32
      %dma_start3A_309 = arith.constant 0 : i32
      %dma_start3A_310 = arith.constant 0 : i32
      %dma_start3A_311 = tpu.memref_slice %arg6[%dma_start3A_307, %dma_start3A_309, %dma_start3A_310] : memref<4x128x64xf32, #tpu.memory_space<vmem>> -> memref<1x128x64xf32, #tpu.memory_space<vmem>>
      %dma_start3A_312 = tpu.memref_squeeze %dma_start3A_311 : memref<1x128x64xf32, #tpu.memory_space<vmem>> -> memref<128x64xf32, #tpu.memory_space<vmem>>
      %dma_start3A_313 = arith.constant 0 : i32
      %dma_start3A_314 = tpu.memref_slice %arg4[%mul3A_306, %dma_start3A_313] : memref<819200x64xf32, #tpu.memory_space<hbm>> -> memref<128x64xf32, #tpu.memory_space<hbm>>
      %dma_start3A_315 = tpu.memref_slice %arg8[%dma_start3A_308] : memref<4x!tpu.dma_semaphore, #tpu.memory_space<semaphore_mem>> -> memref<1x!tpu.dma_semaphore, #tpu.memory_space<semaphore_mem>>
      %dma_start3A_316 = tpu.memref_squeeze %dma_start3A_315 : memref<1x!tpu.dma_semaphore, #tpu.memory_space<semaphore_mem>> -> memref<!tpu.dma_semaphore, #tpu.memory_space<semaphore_mem>>
      %dma_start3A_317 = arith.constant 0 : i32
      %dma_start3A_318 = tpu.memref_slice %arg4[%mul3A_306, %dma_start3A_317] : memref<819200x64xf32, #tpu.memory_space<hbm>> -> memref<128x64xf32, #tpu.memory_space<hbm>>
      %dma_start3A_319 = arith.constant 0 : i32
      %dma_start3A_320 = arith.constant 0 : i32
      %dma_start3A_321 = tpu.memref_slice %arg6[%dma_start3A_307, %dma_start3A_319, %dma_start3A_320] : memref<4x128x64xf32, #tpu.memory_space<vmem>> -> memref<1x128x64xf32, #tpu.memory_space<vmem>>
      %dma_start3A_322 = tpu.memref_squeeze %dma_start3A_321 : memref<1x128x64xf32, #tpu.memory_space<vmem>> -> memref<128x64xf32, #tpu.memory_space<vmem>>
      tpu.enqueue_dma source(%dma_start3A_322 : memref<128x64xf32, #tpu.memory_space<vmem>>) target(%dma_start3A_318 : memref<128x64xf32, #tpu.memory_space<hbm>>) target_semaphore(%dma_start3A_316 : memref<!tpu.dma_semaphore, #tpu.memory_space<semaphore_mem>>)
    }
    %scan3A_36 = arith.constant 50 : i32
    %add3A_37 = arith.constant 0 : i32
    %add3A_38 = arith.addi %mul3A_2, %add3A_37 : i32
    %mul3A_39 = arith.constant 128 : i32
    %mul3A_40 = arith.muli %add3A_38, %mul3A_39 : i32
    %dma_wait3A = arith.constant 0 : i32
    %dma_wait3A_41 = arith.constant 0 : i32
    %dma_wait3A_42 = arith.constant 0 : i32
    %dma_wait3A_43 = arith.constant 0 : i32
    %dma_wait3A_44 = tpu.memref_slice %arg6[%dma_wait3A, %dma_wait3A_42, %dma_wait3A_43] : memref<4x128x64xf32, #tpu.memory_space<vmem>> -> memref<1x128x64xf32, #tpu.memory_space<vmem>>
    %dma_wait3A_45 = tpu.memref_squeeze %dma_wait3A_44 : memref<1x128x64xf32, #tpu.memory_space<vmem>> -> memref<128x64xf32, #tpu.memory_space<vmem>>
    %dma_wait3A_46 = arith.constant 0 : i32
    %dma_wait3A_47 = tpu.memref_slice %arg4[%mul3A_40, %dma_wait3A_46] : memref<819200x64xf32, #tpu.memory_space<hbm>> -> memref<128x64xf32, #tpu.memory_space<hbm>>
    %dma_wait3A_48 = tpu.memref_slice %arg8[%dma_wait3A_41] : memref<4x!tpu.dma_semaphore, #tpu.memory_space<semaphore_mem>> -> memref<1x!tpu.dma_semaphore, #tpu.memory_space<semaphore_mem>>
    %dma_wait3A_49 = tpu.memref_squeeze %dma_wait3A_48 : memref<1x!tpu.dma_semaphore, #tpu.memory_space<semaphore_mem>> -> memref<!tpu.dma_semaphore, #tpu.memory_space<semaphore_mem>>
    %dma_wait3A_50 = arith.constant 0 : i32
    %dma_wait3A_51 = tpu.memref_slice %arg4[%mul3A_40, %dma_wait3A_50] : memref<819200x64xf32, #tpu.memory_space<hbm>> -> memref<128x64xf32, #tpu.memory_space<hbm>>
    %dma_wait3A_52 = arith.constant 0 : i32
    %dma_wait3A_53 = arith.constant 0 : i32
    %dma_wait3A_54 = tpu.memref_slice %arg6[%dma_wait3A, %dma_wait3A_52, %dma_wait3A_53] : memref<4x128x64xf32, #tpu.memory_space<vmem>> -> memref<1x128x64xf32, #tpu.memory_space<vmem>>
    %dma_wait3A_55 = tpu.memref_squeeze %dma_wait3A_54 : memref<1x128x64xf32, #tpu.memory_space<vmem>> -> memref<128x64xf32, #tpu.memory_space<vmem>>
    tpu.wait_dma2 semaphore(%dma_wait3A_49 : memref<!tpu.dma_semaphore, #tpu.memory_space<semaphore_mem>>) src(%dma_wait3A_55 : memref<128x64xf32, #tpu.memory_space<vmem>>) dst(%dma_wait3A_51 : memref<128x64xf32, #tpu.memory_space<hbm>>)
    %add3A_56 = arith.constant 0 : i32
    %add3A_57 = arith.addi %mul3A_2, %add3A_56 : i32
    %mul3A_58 = arith.constant 128 : i32
    %mul3A_59 = arith.muli %add3A_57, %mul3A_58 : i32
    %dma_wait3A_60 = arith.constant 1 : i32
    %dma_wait3A_61 = arith.constant 1 : i32
    %dma_wait3A_62 = arith.constant 0 : i32
    %dma_wait3A_63 = arith.constant 0 : i32
    %dma_wait3A_64 = tpu.memref_slice %arg6[%dma_wait3A_60, %dma_wait3A_62, %dma_wait3A_63] : memref<4x128x64xf32, #tpu.memory_space<vmem>> -> memref<1x128x64xf32, #tpu.memory_space<vmem>>
    %dma_wait3A_65 = tpu.memref_squeeze %dma_wait3A_64 : memref<1x128x64xf32, #tpu.memory_space<vmem>> -> memref<128x64xf32, #tpu.memory_space<vmem>>
    %dma_wait3A_66 = arith.constant 0 : i32
    %dma_wait3A_67 = tpu.memref_slice %arg4[%mul3A_59, %dma_wait3A_66] : memref<819200x64xf32, #tpu.memory_space<hbm>> -> memref<128x64xf32, #tpu.memory_space<hbm>>
    %dma_wait3A_68 = tpu.memref_slice %arg8[%dma_wait3A_61] : memref<4x!tpu.dma_semaphore, #tpu.memory_space<semaphore_mem>> -> memref<1x!tpu.dma_semaphore, #tpu.memory_space<semaphore_mem>>
    %dma_wait3A_69 = tpu.memref_squeeze %dma_wait3A_68 : memref<1x!tpu.dma_semaphore, #tpu.memory_space<semaphore_mem>> -> memref<!tpu.dma_semaphore, #tpu.memory_space<semaphore_mem>>
    %dma_wait3A_70 = arith.constant 0 : i32
    %dma_wait3A_71 = tpu.memref_slice %arg4[%mul3A_59, %dma_wait3A_70] : memref<819200x64xf32, #tpu.memory_space<hbm>> -> memref<128x64xf32, #tpu.memory_space<hbm>>
    %dma_wait3A_72 = arith.constant 0 : i32
    %dma_wait3A_73 = arith.constant 0 : i32
    %dma_wait3A_74 = tpu.memref_slice %arg6[%dma_wait3A_60, %dma_wait3A_72, %dma_wait3A_73] : memref<4x128x64xf32, #tpu.memory_space<vmem>> -> memref<1x128x64xf32, #tpu.memory_space<vmem>>
    %dma_wait3A_75 = tpu.memref_squeeze %dma_wait3A_74 : memref<1x128x64xf32, #tpu.memory_space<vmem>> -> memref<128x64xf32, #tpu.memory_space<vmem>>
    tpu.wait_dma2 semaphore(%dma_wait3A_69 : memref<!tpu.dma_semaphore, #tpu.memory_space<semaphore_mem>>) src(%dma_wait3A_75 : memref<128x64xf32, #tpu.memory_space<vmem>>) dst(%dma_wait3A_71 : memref<128x64xf32, #tpu.memory_space<hbm>>)
    %add3A_76 = arith.constant 0 : i32
    %add3A_77 = arith.addi %mul3A_2, %add3A_76 : i32
    %mul3A_78 = arith.constant 128 : i32
    %mul3A_79 = arith.muli %add3A_77, %mul3A_78 : i32
    %dma_wait3A_80 = arith.constant 2 : i32
    %dma_wait3A_81 = arith.constant 2 : i32
    %dma_wait3A_82 = arith.constant 0 : i32
    %dma_wait3A_83 = arith.constant 0 : i32
    %dma_wait3A_84 = tpu.memref_slice %arg6[%dma_wait3A_80, %dma_wait3A_82, %dma_wait3A_83] : memref<4x128x64xf32, #tpu.memory_space<vmem>> -> memref<1x128x64xf32, #tpu.memory_space<vmem>>
    %dma_wait3A_85 = tpu.memref_squeeze %dma_wait3A_84 : memref<1x128x64xf32, #tpu.memory_space<vmem>> -> memref<128x64xf32, #tpu.memory_space<vmem>>
    %dma_wait3A_86 = arith.constant 0 : i32
    %dma_wait3A_87 = tpu.memref_slice %arg4[%mul3A_79, %dma_wait3A_86] : memref<819200x64xf32, #tpu.memory_space<hbm>> -> memref<128x64xf32, #tpu.memory_space<hbm>>
    %dma_wait3A_88 = tpu.memref_slice %arg8[%dma_wait3A_81] : memref<4x!tpu.dma_semaphore, #tpu.memory_space<semaphore_mem>> -> memref<1x!tpu.dma_semaphore, #tpu.memory_space<semaphore_mem>>
    %dma_wait3A_89 = tpu.memref_squeeze %dma_wait3A_88 : memref<1x!tpu.dma_semaphore, #tpu.memory_space<semaphore_mem>> -> memref<!tpu.dma_semaphore, #tpu.memory_space<semaphore_mem>>
    %dma_wait3A_90 = arith.constant 0 : i32
    %dma_wait3A_91 = tpu.memref_slice %arg4[%mul3A_79, %dma_wait3A_90] : memref<819200x64xf32, #tpu.memory_space<hbm>> -> memref<128x64xf32, #tpu.memory_space<hbm>>
    %dma_wait3A_92 = arith.constant 0 : i32
    %dma_wait3A_93 = arith.constant 0 : i32
    %dma_wait3A_94 = tpu.memref_slice %arg6[%dma_wait3A_80, %dma_wait3A_92, %dma_wait3A_93] : memref<4x128x64xf32, #tpu.memory_space<vmem>> -> memref<1x128x64xf32, #tpu.memory_space<vmem>>
    %dma_wait3A_95 = tpu.memref_squeeze %dma_wait3A_94 : memref<1x128x64xf32, #tpu.memory_space<vmem>> -> memref<128x64xf32, #tpu.memory_space<vmem>>
    tpu.wait_dma2 semaphore(%dma_wait3A_89 : memref<!tpu.dma_semaphore, #tpu.memory_space<semaphore_mem>>) src(%dma_wait3A_95 : memref<128x64xf32, #tpu.memory_space<vmem>>) dst(%dma_wait3A_91 : memref<128x64xf32, #tpu.memory_space<hbm>>)
    %add3A_96 = arith.constant 0 : i32
    %add3A_97 = arith.addi %mul3A_2, %add3A_96 : i32
    %mul3A_98 = arith.constant 128 : i32
    %mul3A_99 = arith.muli %add3A_97, %mul3A_98 : i32
    %dma_wait3A_100 = arith.constant 3 : i32
    %dma_wait3A_101 = arith.constant 3 : i32
    %dma_wait3A_102 = arith.constant 0 : i32
    %dma_wait3A_103 = arith.constant 0 : i32
    %dma_wait3A_104 = tpu.memref_slice %arg6[%dma_wait3A_100, %dma_wait3A_102, %dma_wait3A_103] : memref<4x128x64xf32, #tpu.memory_space<vmem>> -> memref<1x128x64xf32, #tpu.memory_space<vmem>>
    %dma_wait3A_105 = tpu.memref_squeeze %dma_wait3A_104 : memref<1x128x64xf32, #tpu.memory_space<vmem>> -> memref<128x64xf32, #tpu.memory_space<vmem>>
    %dma_wait3A_106 = arith.constant 0 : i32
    %dma_wait3A_107 = tpu.memref_slice %arg4[%mul3A_99, %dma_wait3A_106] : memref<819200x64xf32, #tpu.memory_space<hbm>> -> memref<128x64xf32, #tpu.memory_space<hbm>>
    %dma_wait3A_108 = tpu.memref_slice %arg8[%dma_wait3A_101] : memref<4x!tpu.dma_semaphore, #tpu.memory_space<semaphore_mem>> -> memref<1x!tpu.dma_semaphore, #tpu.memory_space<semaphore_mem>>
    %dma_wait3A_109 = tpu.memref_squeeze %dma_wait3A_108 : memref<1x!tpu.dma_semaphore, #tpu.memory_space<semaphore_mem>> -> memref<!tpu.dma_semaphore, #tpu.memory_space<semaphore_mem>>
    %dma_wait3A_110 = arith.constant 0 : i32
    %dma_wait3A_111 = tpu.memref_slice %arg4[%mul3A_99, %dma_wait3A_110] : memref<819200x64xf32, #tpu.memory_space<hbm>> -> memref<128x64xf32, #tpu.memory_space<hbm>>
    %dma_wait3A_112 = arith.constant 0 : i32
    %dma_wait3A_113 = arith.constant 0 : i32
    %dma_wait3A_114 = tpu.memref_slice %arg6[%dma_wait3A_100, %dma_wait3A_112, %dma_wait3A_113] : memref<4x128x64xf32, #tpu.memory_space<vmem>> -> memref<1x128x64xf32, #tpu.memory_space<vmem>>
    %dma_wait3A_115 = tpu.memref_squeeze %dma_wait3A_114 : memref<1x128x64xf32, #tpu.memory_space<vmem>> -> memref<128x64xf32, #tpu.memory_space<vmem>>
    tpu.wait_dma2 semaphore(%dma_wait3A_109 : memref<!tpu.dma_semaphore, #tpu.memory_space<semaphore_mem>>) src(%dma_wait3A_115 : memref<128x64xf32, #tpu.memory_space<vmem>>) dst(%dma_wait3A_111 : memref<128x64xf32, #tpu.memory_space<hbm>>)
    return
  }
}

</mosaic_0001>

<sc_bundles>
// kernel: kernel.3.cloned.1.call-start
scs
__scs_entry_jumppad:
0x0: {  	(pc) =	sbr.rel $0x88, $3  }
0x1: {  	(tag) =	ssettag $0x0;
	lr =	simm.s32 $0x1  }
0x2: {  	[smem:$0x3F9F] =	sst lr;
	_ =	strace $0xD0000000  }
0x3: {  	_ = 	snop  }
0x4: {  	_ = 	snop  }
0x5: {  	_ = 	snop  }
0x6: {  	_ = 	snop  }
0x7: {  	_ = 	snop  }
__scs_overlays_trampoline_lowered:
0x8: {  	[smem:$0x3FAE] =	sst s0  }
0x9: {  	[smem:$0x3FAF] =	sst s1  }
0xa: {  	[smem:$0x3FB0] =	sst s2  }
0xb: {  	[smem:$0x3FB1] =	sst s3  }
0xc: {  	[smem:$0x3FB2] =	sst s4  }
0xd: {  	[smem:$0x3FB3] =	sst s5  }
0xe: {  	[smem:$0x3FB4] =	sst s6  }
0xf: {  	[smem:$0x3FB5] =	sst s7  }
0x10: {  	[smem:$0x3FB6] =	sst s8  }
0x11: {  	[smem:$0x3FB7] =	sst s9;
	s0 =	simm.s32 @!p0 $0x0  }
0x12: {  	s1 =	sld [smem:$0x3F9D];
	s0 =	simm.s32 @p0 $0x1  }
0x13: {  	[smem:$0x3FB8] =	sst s0;
	s0 =	simm.s32 @!p1 $0x0  }
0x14: {  	s2 =	sld [smem:$0x3F9C];
	s0 =	simm.s32 @p1 $0x1  }
0x15: {  	[smem:$0x3FB9] =	sst s0;
	s0 =	simm.s32 @!p2 $0x0  }
0x16: {  	s3 =	sld [smem:$0x3FDB];
	s0 =	simm.s32 @p2 $0x1  }
0x17: {  	s4 =	simm.s32 $0x1BF5;
	[smem:$0x3FBB] =	sst s0  }
0x18: {  	s0 =	sld [smem:$0x3F9E];
	_ =	swait.ge [sflag:s4], $0x0  }
0x19: {  	s7 =	sld [smem:$0x3F9F]  }
0x1a: {  	s8 =	sadd.s32 $0xFFFFE003, lr  }
0x1b: {  	s9 =	sadd.s32 $0xFFFFFEF7, lr;
	s5 =	simm.s32 $0xFFFFFFFF;
	p2 =	slt.u32 s8, $0xFFFFF086  }
0x1c: {  	p1 =	slt.u32 s9, $0xF7A;
	s5 =	simm.s32 @!p2 $0x0  }
0x1d: {  	s5 =	simm.s32 @p1 $0x1;
	p0 =	seq.s32 s7, s2  }
0x1e: {  	s7 =	smul.u32 @!p0 $0xF7A, s2;
	p2 =	seq.s32 @!p0 s5, $0x0  }
0x1f: {  	s9 =	smul.u32 $0xF7A, s1;
	s8 =	simm.s32 @!p0 $0x1BF5;
	p2 =	por !p2, p0  }
0x20: {  	[sflag:s8] =	ssyncset.s32 @!p0 $0xFFFFF086;
	s6 =	sadd.s32 @!p0 s3, s7;
	s7 =	simm.s32 @!p0 $0x108  }
0x21: {  	s3 =	sadd.s32 s3, s9;
	s6 =	sadd.s32 @!p0 $0x88, s6;
	s7 =	simm.s32 @p2 $0x1082  }
0x22: {  	[simem:s7], [sflag:s8] =	dma.local @!p0 [hbm:s6], $0xF7A  }
0x23: {  	s9 =	sor.u32 $0xD0000000, s2;
	s6 =	simm.s32 $0x108;
	_ =	swait.ge @!p0 [sflag:s8], $0x0  }
0x24: {  	s3 =	sadd.s32 $0x88, s3;
	s6 =	simm.s32 @!p1 $0x1082;
	[sflag:s4] =	ssyncset.s32 $0xFFFFF086  }
0x25: {  	[simem:s6], [sflag:s4] =	dma.local [hbm:s3], $0xF7A  }
0x26: {  	[smem:$0x3F9F] =	sst s1;
	(tag) =	ssettag s2;
	_ =	strace s9  }
0x27: {  	s1 =	sld [smem:$0x3FAF]  }
0x28: {  	s2 =	sld [smem:$0x3FB0]  }
0x29: {  	s4 =	sld [smem:$0x3FB2]  }
0x2a: {  	p0 =	seq.s32 s5, $0x0;
	s5 =	sld [smem:$0x3FB3]  }
0x2b: {  	s6 =	sld [smem:$0x3FB4]  }
0x2c: {  	s7 =	sld [smem:$0x3FB5]  }
0x2d: {  	s3 =	simm.s32 $0x108;
	s8 =	sld [smem:$0x3FB6]  }
0x2e: {  	s3 =	simm.s32 @!p0 $0x1082;
	s9 =	sld [smem:$0x3FB7]  }
0x2f: {  	lr =	sadd.s32 s0, s3;
	s0 =	sld [smem:$0x3FAE]  }
0x30: {  	s3 =	sld [smem:$0x3FB1]  }
0x31: {  	[smem:$0x3FBA] =	sst s10  }
0x32: {  	s10 =	sld [smem:$0x3FB8];
	_ =	sdelay $0x3  }
0x33: {  	p0 =	seq.s32 s10, $0x1;
	s10 =	sld [smem:$0x3FBA];
	_ =	sdelay $0x3  }
0x34: {  	[smem:$0x3FBA] =	sst s10  }
0x35: {  	s10 =	sld [smem:$0x3FB9];
	_ =	sdelay $0x3  }
0x36: {  	p1 =	seq.s32 s10, $0x1;
	s10 =	sld [smem:$0x3FBA];
	_ =	sdelay $0x3  }
0x37: {  	[smem:$0x3FBA] =	sst s10  }
0x38: {  	s10 =	sld [smem:$0x3FBB]  }
0x39: {  	_ = 	snop;
	(pc) =	sbr.ind lr, $3  }
0x3a: {  	_ = 	snop  }
0x3b: {  	_ = 	snop  }
0x3c: {  	p2 =	seq.s32 s10, $0x1;
	s10 =	sld [smem:$0x3FBA]  }
0x3d: {  	_ =	shalt  }
0x3e: {  	_ =	shalt  }
0x3f: {  	_ =	shalt  }
0x40: {  	_ =	shalt  }
0x41: {  	_ =	shalt  }
0x42: {  	_ =	shalt  }
0x43: {  	_ =	shalt  }
0x44: {  	_ =	shalt  }
0x45: {  	_ =	shalt  }
0x46: {  	_ =	shalt  }
0x47: {  	_ =	shalt  }
0x48: {  	_ =	shalt  }
0x49: {  	_ =	shalt  }
0x4a: {  	_ =	shalt  }
0x4b: {  	_ =	shalt  }
0x4c: {  	_ =	shalt  }
0x4d: {  	_ =	shalt  }
0x4e: {  	_ =	shalt  }
0x4f: {  	_ =	shalt  }
0x50: {  	_ =	shalt  }
0x51: {  	_ =	shalt  }
0x52: {  	_ =	shalt  }
0x53: {  	_ =	shalt  }
0x54: {  	_ =	shalt  }
0x55: {  	_ =	shalt  }
0x56: {  	_ =	shalt  }
0x57: {  	_ =	shalt  }
0x58: {  	_ =	shalt  }
0x59: {  	_ =	shalt  }
0x5a: {  	_ =	shalt  }
0x5b: {  	_ =	shalt  }
0x5c: {  	_ =	shalt  }
0x5d: {  	_ =	shalt  }
0x5e: {  	_ =	shalt  }
0x5f: {  	_ =	shalt  }
0x60: {  	_ =	shalt  }
0x61: {  	_ =	shalt  }
0x62: {  	_ =	shalt  }
0x63: {  	_ =	shalt  }
0x64: {  	_ =	shalt  }
0x65: {  	_ =	shalt  }
0x66: {  	_ =	shalt  }
0x67: {  	_ =	shalt  }
0x68: {  	_ =	shalt  }
0x69: {  	_ =	shalt  }
0x6a: {  	_ =	shalt  }
0x6b: {  	_ =	shalt  }
0x6c: {  	_ =	shalt  }
0x6d: {  	_ =	shalt  }
0x6e: {  	_ =	shalt  }
0x6f: {  	_ =	shalt  }
0x70: {  	_ =	shalt  }
0x71: {  	_ =	shalt  }
0x72: {  	_ =	shalt  }
0x73: {  	_ =	shalt  }
0x74: {  	_ =	shalt  }
0x75: {  	_ =	shalt  }
0x76: {  	_ =	shalt  }
0x77: {  	_ =	shalt  }
0x78: {  	_ =	shalt  }
0x79: {  	_ =	shalt  }
0x7a: {  	_ =	shalt  }
0x7b: {  	_ =	shalt  }
0x7c: {  	_ =	shalt  }
0x7d: {  	_ =	shalt  }
0x7e: {  	_ =	shalt  }
0x7f: {  	_ =	shalt  }
0x80: {  	_ =	shalt  }
0x81: {  	_ =	shalt  }
0x82: {  	_ =	shalt  }
0x83: {  	_ =	shalt  }
0x84: {  	_ =	shalt  }
0x85: {  	_ =	shalt  }
0x86: {  	_ =	shalt  }
0x87: {  	_ =	shalt  }
.Lfunc_end0:
.L_simem_size_0:
called_computation.1_lowered:
.L_overlay_start_0:
0x88: {  	s2 =	sld [smem:$0x3FD9]  }
0x89: {  	s3 =	sld [smem:$0x3FFE];
	_ =	sdelay $0x1  }
0x8a: {  	s1 =	srdreg.scid  }
0x8b: {  	s0 =	sand.u32 $0x1, s1  }
0x8c: {  	s17 =	sshll.u32 s0, $0xA;
	s2 =	sadd.s32 s3, s2  }
0x8d: {  	s2 =	sadd.s32 s2, s17  }
0x8e: {  	[smem:$0x3FC6] =	sst s2  }
0x8f: {  	_ = 	snop  }
0x90: {  	s2 =	sld [smem:$0x3FD0];
	(tm) =	ssettm $0x1  }
0x91: {  	s18 =	sld [smem:$0x3FFB];
	_ =	sdelay $0x3  }
0x92: {  	_ =	strace s18  }
0x93: {  	s3 =	sld [smem:$0x3FFC];
	_ =	sdelay $0x3  }
0x94: {  	_ =	strace s3  }
0x95: {  	s3 =	sld [smem:$0x3FFD];
	_ =	sdelay $0x3  }
0x96: {  	_ =	strace s3  }
0x97: {  	_ =	strace $0x8FFFFFFF  }
0x98: {  	s19 =	sld [smem:$0x3FDB];
	_ =	sdelay $0x1  }
0x99: {  	s4 =	simm.s32 $_scs_section_size  }
0x9a: {  	s5 =	simm.s32 $_size__tile_overlayer_lowered;
	s6 =	simm.s32 $_tile_overlayer_lowered  }
0x9b: {  	s22 =	simm.s32 $0x1BFF;
	s21 =	sshll.u32 s6, $0x1;
	s3 =	sadd.s32 s4, s19  }
0x9c: {  	s7 =	simm.s32 $0x0;
	s20 =	sshll.u32 s5, $0x1;
	s5 =	sadd.s32 s21, s3  }
0x9d: {  	[timem:s7], [sflag:s22] =	dma.local [hbm:s5], s20  }
0x9e: {  	_ =	swait.ge [sflag:s22], s20  }
0x9f: {  	s4 =	ssub.s32 $0x0, s20;
	[sflag:s22] =	ssyncset.done $0x0  }
0xa0: {  	[sflag:s22] =	ssyncadd.s32 s4;
	_ =	sdelay $0x1  }
0xa1: {  	s23 =	simm.s32 $0x1B8B  }
0xa2: {  	_ =	swait.ge [sflag:s23], $0x1  }
0xa3: {  	[sflag:s23] =	ssyncset.done $0x0  }
0xa4: {  	s25 =	simm.s32 $0x1B8E;
	s24 =	sld [smem:$0x3FFE];
	[sflag:s23] =	ssyncadd.s32 $0xFFFFFFFF  }
0xa5: {  	s26 =	simm.s32 $execute0_lowered;
	[smem:$0x3FD2] =	sst s25  }
0xa6: {  	s5 =	sshll.u32 s26, $0x1;
	_ =	strace $0x80000046;
	[dreg:$0x1] =	wrdreg $0xFFFFFFFF  }
0xa7: {  	s28 =	simm.s32 $_size_execute0_lowered;
	s3 =	sadd.s32 s3, s5;
	[dreg:$0x0] =	wrdreg $0x0  }
0xa8: {  	s5 =	sshll.u32 s28, $0x1;
	[dreg:$0x2] =	wrdreg s3  }
0xa9: {  	[dreg:$0x3] =	wrdreg s5  }
0xaa: {  	[dreg:$0x4] =	wrdreg $0xC0  }
0xab: {  	_ =	task [dreg:s7], $0x5FFFF  }
0xac: {  	[dreg:$0x1] =	wrdreg $0xFFFFFFFF  }
0xad: {  	[dreg:$0x0] =	wrdreg $0x60  }
0xae: {  	[dreg:$0x2] =	wrdreg s24  }
0xaf: {  	[dreg:$0x3] =	wrdreg s2  }
0xb0: {  	[dreg:$0x4] =	wrdreg $0x9  }
0xb1: {  	_ =	task.clear_ibuf [dreg:s7], $0x5FFFF;
	_ =	strace $0x90000046  }
0xb2: {  	s29 =	simm.s32 $0x9;
	_ =	strace $0x80000048  }
0xb3: {  	_ =	swait.ge [sflag:s29], $0x1  }
0xb4: {  	[sflag:s29] =	ssyncadd.s32 $0xFFFFFFFF  }
0xb5: {  	_ =	strace $0x90000048  }
0xb6: {  	_ =	sfence  }
0xb7: {  	s30 =	sld [smem:$0x0];
	_ =	sdelay $0x2  }
0xb8: {  	s31 =	sshll.u32 s1, $0xD;
	s1 =	sshrl.u32 s1, $0x2  }
0xb9: {  	s3 =	sand.u32 $0x4000, s31;
	s1 =	sadd.s32 s1, s30  }
0xba: {  	s0 =	sor.u32 s3, s0;
	s1 =	sshll.u32 s1, $0x11  }
0xbb: {  	s0 =	sor.u32 s1, s0  }
0xbc: {  	s0 =	sadd.s32 $0x8F2B, s0  }
0xbd: {  	[sflag:s0] =	ssyncadd.remote.s32 $0x1  }
0xbe: {  	_ =	sfence.sel $0xFFFF  }
0xbf: {  	[dreg:$0x0] =	wrdreg $0xFFFFFFFF;
	(pc) =	sbr.abs _section_cstart, $3  }
0xc0: {  	[dreg:$0x1] =	wrdreg $0xFFFFFFFF  }
0xc1: {  	_ =	task.clear_ibuf [dreg:s7], $0x2FFFF;
	_ =	strace $0x9FFFFFFF  }
0xc2: {  	(tm) =	ssettm $0x7FFFFFFF  }
0xc3: {  	_ =	shalt  }
tec
execute0_lowered:
.L_overlay_start_1:
0x0: {  	(tag) =	ssettag $0x1  }
0x1: {  	s5 =	rddreg [dreg:$0x0]  }
0x2: {  	s1 =	srdreg.scid;
	s0 =	stileid.u32  }
0x3: {  	s2 =	rddreg [dreg:$0x1];
	s3 =	simm.s32 $0x0;
	s10 =	simm.s32 $0x80  }
0x4: {  	s11 =	simm.s32 $0x6400;
	s12 =	simm.s32 $0x8400;
	s13 =	simm.s32 $0x1  }
0x5: {  	s14 =	simm.s32 $0xA400;
	s15 =	simm.s32 $0x2;
	s16 =	simm.s32 $0xC400  }
0x6: {  	s17 =	simm.s32 $0x3;
	s18 =	simm.s32 $0x4;
	s19 =	simm.s32 $0x5  }
0x7: {  	s20 =	simm.s32 $0x6;
	s21 =	simm.s32 $0x7;
	s22 =	simm.s32 $0x8  }
0x8: {  	s23 =	simm.s32 $0x0;
	s4 =	sand.u32 $0x1, s1;
	s6 =	sshll.u32 s0, $0x1  }
0x9: {  	s1 =	rddreg [dreg:$0x2];
	s6 =	sor.u32 s4, s6;
	s8 =	ssub.s32 $0x2, s4  }
0xa: {  	[smem:$0x7FF] =	sst s3;
	s7 =	smul.u32 $0xC80, s6;
	s9 =	sshrl.u32 s8, $0x1  }
0xb: {  	_ =	strace $0x80000047;
	s4 =	smul.u32 $0xC8, s6;
	s8 =	ssub.s32 s8, s9  }
0xc: {  	s9 =	simm.s32 $0x9;
	s31 =	sadd.s32 s7, s5;
	s5 =	sadd.s32 $0xF42E00, s5  }
0xd: {  	s7 =	sor.u32 $0x1, s4;
	s8 =	smax.u32 s8, $0x1;
	s6 =	sadd.s32 $0xA00, s31  }
.LBB2_1:
0xe: {  	[tilespmem:s3], [sflag:$0x9] =	stream.linear.gather [hbm4b:s6+s3], $0x6400, $0x38;
	[tilespmem:$0xE400] =	vst v63  }
0xf: {  	_ =	swait.ge [sflag:s9], $0x6400  }
0x10: {  	[sflag:s9] =	ssyncset.done $0x0  }
0x11: {  	[sflag:s9] =	ssyncadd.s32 $0xFFFF9C00  }
0x12: {  	[tilespmem:s11], [sflag:$0x1] =	stream.indirect.gather [hbm4b:s5+s10], $0x40, s3, s10, $0xb8;
	[tilespmem:$0xE400] =	vst v63  }
0x13: {  	s24 =	simm.s32 $0x0  }
0x14: {  	[tilespmem:s12], [sflag:$0x2] =	stream.indirect.gather [hbm4b:s5+s10], $0x40, s10, s10, $0xb8;
	[tilespmem:$0xE400] =	vst v63  }
.LBB2_2:
0x15: {  	s25 =	sshll.u32 s24, $0x2  }
0x16: {  	_ =	swait.ge [sflag:s13], $0x2000;
	s26 =	sadd.s32 $0xFFFFFFFC, s25  }
0x17: {  	[sflag:s13] =	ssyncset.done $0x0;
	p0 =	sgt.u32 s26, $0xC3  }
0x18: {  	[sflag:s13] =	ssyncadd.s32 $0xFFFFE000;
	s28 =	simm.s32 @!p0 $0x7  }
0x19: {  	s31 =	sshll.u32 s24, $0x9;
	_ =	swait.ge @!p0 [sflag:s28], $0x2000  }
0x1a: {  	s26 =	sand.u32 $0x3FFFFE00, s31;
	[sflag:s28] =	ssyncset.done @!p0 $0x0  }
0x1b: {  	[sflag:s28] =	ssyncadd.s32 @!p0 $0xFFFFE000;
	s28 =	sor.u32 $0x100, s26  }
0x1c: {  	[tilespmem:s14], [sflag:$0x3] =	stream.indirect.gather [hbm4b:s5+s10], $0x40, s28, s10, $0xb8;
	[tilespmem:$0xE400] =	vst v63  }
0x1d: {  	s28 =	simm.s32 $0x6480  }
0x1e: {  	v0 =	vld [tilespmem:s28+$0x70]  }
0x1f: {  	v1 =	vld [tilespmem:s28+$0xFFFFFF90]  }
0x20: {  	v2 =	vld [tilespmem:s28+$0xFFFFFFA0]  }
0x21: {  	v3 =	vld [tilespmem:s28+$0xFFFFFFB0]  }
0x22: {  	v4 =	vld [tilespmem:s28+$0xFFFFFFC0]  }
0x23: {  	v5 =	vld [tilespmem:s28+$0xFFFFFFD0];
	v0 =	vmul.f32 $8.000000000e+00, v0  }
0x24: {  	v6 =	vld [tilespmem:s28+$0xFFFFFFE0];
	v1 =	vmul.f32 $8.000000000e+00, v1  }
0x25: {  	v7 =	vld [tilespmem:s28+$0xFFFFFFF0];
	v2 =	vmul.f32 $8.000000000e+00, v2;
	[tilespmem:s28+$0x70] =	vst v0  }
0x26: {  	[tilespmem:s28+$0xFFFFFF90] =	vst v1;
	v0 =	vmul.f32 $8.000000000e+00, v3;
	v3 =	vld [tilespmem:s28+$0x0]  }
0x27: {  	[tilespmem:s28+$0xFFFFFFA0] =	vst v2;
	v1 =	vmul.f32 $8.000000000e+00, v4;
	v4 =	vld [tilespmem:s28+$0x10]  }
0x28: {  	v8 =	vld [tilespmem:s28+$0x20];
	v2 =	vmul.f32 $8.000000000e+00, v5;
	[tilespmem:s28+$0xFFFFFFB0] =	vst v0  }
0x29: {  	v5 =	vmul.f32 $8.000000000e+00, v6;
	[tilespmem:s28+$0xFFFFFFC0] =	vst v1;
	v0 =	vld [tilespmem:s28+$0x30]  }
0x2a: {  	v6 =	vmul.f32 $8.000000000e+00, v7;
	[tilespmem:s28+$0xFFFFFFD0] =	vst v2;
	v1 =	vld [tilespmem:s28+$0x40]  }
0x2b: {  	[tilespmem:s28+$0xFFFFFFE0] =	vst v5;
	v2 =	vld [tilespmem:s28+$0x50];
	v7 =	vmul.f32 $8.000000000e+00, v3  }
0x2c: {  	[tilespmem:s28+$0xFFFFFFF0] =	vst v6;
	v3 =	vld [tilespmem:s28+$0x60];
	v5 =	vmul.f32 $8.000000000e+00, v4  }
0x2d: {  	s29 =	simm.s32 $0x0;
	s30 =	simm.s32 $0x6580;
	v6 =	vmul.f32 $8.000000000e+00, v8;
	v4 =	vld [tilespmem:s28+$0xFFFFFF80];
	[tilespmem:s28+$0x0] =	vst v7  }
.LBB2_3:
0x2e: {  	v7 =	vld [tilespmem:s30+$0x70];
	s29 =	sadd.s32 $0x4, s29;
	[tilespmem:s28+$0x10] =	vst v5;
	v0 =	vmul.f32 $8.000000000e+00, v0  }
0x2f: {  	v5 =	vld [tilespmem:s30+$0xFFFFFF90];
	p0 =	slt.u32 s29, $0x7C;
	[tilespmem:s28+$0x20] =	vst v6;
	v1 =	vmul.f32 $8.000000000e+00, v1  }
0x30: {  	v6 =	vld [tilespmem:s30+$0xFFFFFFA0];
	[tilespmem:s28+$0x30] =	vst v0;
	v0 =	vmul.f32 $8.000000000e+00, v2  }
0x31: {  	v2 =	vld [tilespmem:s30+$0xFFFFFFB0];
	[tilespmem:s28+$0x40] =	vst v1;
	v1 =	vmul.f32 $8.000000000e+00, v3  }
0x32: {  	v3 =	vld [tilespmem:s30+$0xFFFFFFC0];
	v4 =	vmul.f32 $8.000000000e+00, v4;
	[tilespmem:s28+$0x50] =	vst v0  }
0x33: {  	v0 =	vld [tilespmem:s30+$0xFFFFFFD0];
	v7 =	vmul.f32 $8.000000000e+00, v7;
	[tilespmem:s28+$0x60] =	vst v1  }
0x34: {  	v1 =	vmul.f32 $8.000000000e+00, v5;
	v5 =	vld [tilespmem:s30+$0xFFFFFFE0];
	[tilespmem:s28+$0xFFFFFF80] =	vst v4;
	s28 =	smov.u32 s30  }
0x35: {  	v4 =	vmul.f32 $8.000000000e+00, v6;
	v6 =	vld [tilespmem:s30+$0xFFFFFFF0];
	[tilespmem:s30+$0x70] =	vst v7  }
0x36: {  	[tilespmem:s30+$0xFFFFFF90] =	vst v1;
	v1 =	vmul.f32 $8.000000000e+00, v2;
	v2 =	vld [tilespmem:s30+$0x0]  }
0x37: {  	[tilespmem:s30+$0xFFFFFFA0] =	vst v4;
	v3 =	vmul.f32 $8.000000000e+00, v3;
	v4 =	vld [tilespmem:s30+$0x10]  }
0x38: {  	[tilespmem:s30+$0xFFFFFFB0] =	vst v1;
	v1 =	vmul.f32 $8.000000000e+00, v0;
	v7 =	vld [tilespmem:s30+$0x20]  }
.Ltmp0:
0x39: {  	[tilespmem:s30+$0xFFFFFFC0] =	vst v3;
	v3 =	vmul.f32 $8.000000000e+00, v5;
	v0 =	vld [tilespmem:s30+$0x30];
	(pc) =	sbr.rel @p0 .LBB2_3-.Ltmp0, $4  }
0x3a: {  	[tilespmem:s30+$0xFFFFFFD0] =	vst v1;
	v5 =	vmul.f32 $8.000000000e+00, v6;
	v1 =	vld [tilespmem:s30+$0x40]  }
0x3b: {  	[tilespmem:s30+$0xFFFFFFE0] =	vst v3;
	v6 =	vmul.f32 $8.000000000e+00, v2;
	v2 =	vld [tilespmem:s30+$0x50]  }
0x3c: {  	[tilespmem:s30+$0xFFFFFFF0] =	vst v5;
	v5 =	vmul.f32 $8.000000000e+00, v4;
	v3 =	vld [tilespmem:s30+$0x60]  }
0x3d: {  	s30 =	sadd.s32 $0x100, s30;
	v4 =	vld [tilespmem:s28+$0xFFFFFF80];
	[tilespmem:s28+$0x0] =	vst v6;
	v6 =	vmul.f32 $8.000000000e+00, v7  }
0x3e: {  	[tilespmem:s28+$0x10] =	vst v5;
	v0 =	vmul.f32 $8.000000000e+00, v0  }
0x3f: {  	[tilespmem:s28+$0x20] =	vst v6;
	v1 =	vmul.f32 $8.000000000e+00, v1  }
0x40: {  	[tilespmem:s28+$0x30] =	vst v0;
	v0 =	vmul.f32 $8.000000000e+00, v2  }
0x41: {  	[tilespmem:s28+$0x40] =	vst v1;
	v1 =	vmul.f32 $8.000000000e+00, v3  }
0x42: {  	s29 =	sadd.s32 s4, s25;
	v2 =	vmul.f32 $8.000000000e+00, v4;
	[tilespmem:s28+$0x50] =	vst v0  }
0x43: {  	s29 =	sshll.u32 s29, $0xA;
	[tilespmem:s28+$0x60] =	vst v1  }
0x44: {  	[tilespmem:s28+$0xFFFFFF80] =	vst v2;
	s28 =	sadd.s32 s2, s29  }
0x45: {  	[hbm4b:s28+s3] =	stream.linear.scatter [tilespmem:s11], [sflag:$0x5], $0x2000, $0x38;
	[tilespmem:$0xE400] =	vst v63  }
0x46: {  	_ =	swait.ge [sflag:s15], $0x2000  }
0x47: {  	p0 =	seq.s32 s24, $0x0;
	[sflag:s15] =	ssyncset.done $0x0  }
0x48: {  	s28 =	simm.s32 @!p0 $0x8;
	[sflag:s15] =	ssyncadd.s32 $0xFFFFE000  }
0x49: {  	_ =	swait.ge @!p0 [sflag:s28], $0x2000  }
0x4a: {  	[sflag:s28] =	ssyncset.done @!p0 $0x0  }
0x4b: {  	[sflag:s28] =	ssyncadd.s32 @!p0 $0xFFFFE000;
	s28 =	sadd.s32 $0x180, s26  }
0x4c: {  	[tilespmem:s16], [sflag:$0x4] =	stream.indirect.gather [hbm4b:s5+s10], $0x40, s28, s10, $0xb8;
	[tilespmem:$0xE400] =	vst v63  }
0x4d: {  	s28 =	simm.s32 $0x84F0  }
0x4e: {  	v0 =	vld [tilespmem:s28+$0x0]  }
0x4f: {  	v1 =	vld [tilespmem:s28+$0xFFFFFF20]  }
0x50: {  	v2 =	vld [tilespmem:s28+$0xFFFFFF30]  }
0x51: {  	v3 =	vld [tilespmem:s28+$0xFFFFFF40]  }
0x52: {  	v4 =	vld [tilespmem:s28+$0xFFFFFF50]  }
0x53: {  	v5 =	vld [tilespmem:s28+$0xFFFFFF60];
	v0 =	vmul.f32 $8.000000000e+00, v0  }
0x54: {  	v6 =	vld [tilespmem:s28+$0xFFFFFF70];
	v1 =	vmul.f32 $8.000000000e+00, v1  }
0x55: {  	v7 =	vld [tilespmem:s28+$0xFFFFFF80];
	v2 =	vmul.f32 $8.000000000e+00, v2;
	[tilespmem:s28+$0x0] =	vst v0  }
0x56: {  	[tilespmem:s28+$0xFFFFFF20] =	vst v1;
	v0 =	vmul.f32 $8.000000000e+00, v3;
	v3 =	vld [tilespmem:s28+$0xFFFFFF90]  }
0x57: {  	[tilespmem:s28+$0xFFFFFF30] =	vst v2;
	v1 =	vmul.f32 $8.000000000e+00, v4;
	v4 =	vld [tilespmem:s28+$0xFFFFFFA0]  }
0x58: {  	v8 =	vld [tilespmem:s28+$0xFFFFFFB0];
	v2 =	vmul.f32 $8.000000000e+00, v5;
	[tilespmem:s28+$0xFFFFFF40] =	vst v0  }
0x59: {  	v5 =	vmul.f32 $8.000000000e+00, v6;
	[tilespmem:s28+$0xFFFFFF50] =	vst v1;
	v0 =	vld [tilespmem:s28+$0xFFFFFFC0]  }
0x5a: {  	v6 =	vmul.f32 $8.000000000e+00, v7;
	[tilespmem:s28+$0xFFFFFF60] =	vst v2;
	v1 =	vld [tilespmem:s28+$0xFFFFFFD0]  }
0x5b: {  	[tilespmem:s28+$0xFFFFFF70] =	vst v5;
	v2 =	vld [tilespmem:s28+$0xFFFFFFE0];
	v7 =	vmul.f32 $8.000000000e+00, v3  }
0x5c: {  	[tilespmem:s28+$0xFFFFFF80] =	vst v6;
	v3 =	vld [tilespmem:s28+$0xFFFFFFF0];
	v5 =	vmul.f32 $8.000000000e+00, v4  }
0x5d: {  	s30 =	simm.s32 $0x85F0;
	s29 =	simm.s32 $0x0;
	v6 =	vmul.f32 $8.000000000e+00, v8;
	v4 =	vld [tilespmem:s28+$0xFFFFFF10];
	[tilespmem:s28+$0xFFFFFF90] =	vst v7  }
.LBB2_5:
0x5e: {  	v7 =	vld [tilespmem:s30+$0x0];
	s29 =	sadd.s32 $0x4, s29;
	[tilespmem:s28+$0xFFFFFFA0] =	vst v5;
	v0 =	vmul.f32 $8.000000000e+00, v0  }
0x5f: {  	v5 =	vld [tilespmem:s30+$0xFFFFFF20];
	p0 =	slt.u32 s29, $0x7C;
	[tilespmem:s28+$0xFFFFFFB0] =	vst v6;
	v1 =	vmul.f32 $8.000000000e+00, v1  }
0x60: {  	v6 =	vld [tilespmem:s30+$0xFFFFFF30];
	[tilespmem:s28+$0xFFFFFFC0] =	vst v0;
	v0 =	vmul.f32 $8.000000000e+00, v2  }
0x61: {  	v2 =	vld [tilespmem:s30+$0xFFFFFF40];
	[tilespmem:s28+$0xFFFFFFD0] =	vst v1;
	v1 =	vmul.f32 $8.000000000e+00, v3  }
0x62: {  	v3 =	vld [tilespmem:s30+$0xFFFFFF50];
	v4 =	vmul.f32 $8.000000000e+00, v4;
	[tilespmem:s28+$0xFFFFFFE0] =	vst v0  }
0x63: {  	v0 =	vld [tilespmem:s30+$0xFFFFFF60];
	v7 =	vmul.f32 $8.000000000e+00, v7;
	[tilespmem:s28+$0xFFFFFFF0] =	vst v1  }
0x64: {  	v1 =	vmul.f32 $8.000000000e+00, v5;
	v5 =	vld [tilespmem:s30+$0xFFFFFF70];
	[tilespmem:s28+$0xFFFFFF10] =	vst v4;
	s28 =	smov.u32 s30  }
0x65: {  	v4 =	vmul.f32 $8.000000000e+00, v6;
	v6 =	vld [tilespmem:s30+$0xFFFFFF80];
	[tilespmem:s30+$0x0] =	vst v7  }
0x66: {  	[tilespmem:s30+$0xFFFFFF20] =	vst v1;
	v1 =	vmul.f32 $8.000000000e+00, v2;
	v2 =	vld [tilespmem:s30+$0xFFFFFF90]  }
0x67: {  	[tilespmem:s30+$0xFFFFFF30] =	vst v4;
	v3 =	vmul.f32 $8.000000000e+00, v3;
	v4 =	vld [tilespmem:s30+$0xFFFFFFA0]  }
0x68: {  	[tilespmem:s30+$0xFFFFFF40] =	vst v1;
	v1 =	vmul.f32 $8.000000000e+00, v0;
	v7 =	vld [tilespmem:s30+$0xFFFFFFB0]  }
.Ltmp1:
0x69: {  	[tilespmem:s30+$0xFFFFFF50] =	vst v3;
	v3 =	vmul.f32 $8.000000000e+00, v5;
	v0 =	vld [tilespmem:s30+$0xFFFFFFC0];
	(pc) =	sbr.rel @p0 .LBB2_5-.Ltmp1, $4  }
0x6a: {  	[tilespmem:s30+$0xFFFFFF60] =	vst v1;
	v5 =	vmul.f32 $8.000000000e+00, v6;
	v1 =	vld [tilespmem:s30+$0xFFFFFFD0]  }
0x6b: {  	[tilespmem:s30+$0xFFFFFF70] =	vst v3;
	v6 =	vmul.f32 $8.000000000e+00, v2;
	v2 =	vld [tilespmem:s30+$0xFFFFFFE0]  }
0x6c: {  	[tilespmem:s30+$0xFFFFFF80] =	vst v5;
	v5 =	vmul.f32 $8.000000000e+00, v4;
	v3 =	vld [tilespmem:s30+$0xFFFFFFF0]  }
0x6d: {  	s30 =	sadd.s32 $0x100, s30;
	v4 =	vld [tilespmem:s28+$0xFFFFFF10];
	[tilespmem:s28+$0xFFFFFF90] =	vst v6;
	v6 =	vmul.f32 $8.000000000e+00, v7  }
0x6e: {  	[tilespmem:s28+$0xFFFFFFA0] =	vst v5;
	v0 =	vmul.f32 $8.000000000e+00, v0  }
0x6f: {  	[tilespmem:s28+$0xFFFFFFB0] =	vst v6;
	v1 =	vmul.f32 $8.000000000e+00, v1  }
0x70: {  	[tilespmem:s28+$0xFFFFFFC0] =	vst v0;
	v0 =	vmul.f32 $8.000000000e+00, v2  }
0x71: {  	s29 =	sadd.s32 s25, s7;
	[tilespmem:s28+$0xFFFFFFD0] =	vst v1;
	v1 =	vmul.f32 $8.000000000e+00, v3  }
0x72: {  	s29 =	sshll.u32 s29, $0xA;
	v2 =	vmul.f32 $8.000000000e+00, v4;
	[tilespmem:s28+$0xFFFFFFE0] =	vst v0  }
0x73: {  	s29 =	sand.u32 $0x1FFFF400, s29;
	[tilespmem:s28+$0xFFFFFFF0] =	vst v1  }
0x74: {  	[tilespmem:s28+$0xFFFFFF10] =	vst v2;
	s28 =	sadd.s32 s2, s29  }
0x75: {  	[hbm4b:s28+s3] =	stream.linear.scatter [tilespmem:s12], [sflag:$0x6], $0x2000, $0x38;
	[tilespmem:$0xE400] =	vst v63  }
0x76: {  	s28 =	sor.u32 $0x2, s25;
	_ =	swait.ge [sflag:s17], $0x2000  }
0x77: {  	p0 =	sgt.u32 s28, $0xC5;
	[sflag:s17] =	ssyncset.done $0x0  }
0x78: {  	s29 =	simm.s32 @!p0 $0x5;
	[sflag:s17] =	ssyncadd.s32 $0xFFFFE000  }
0x79: {  	_ =	swait.ge @!p0 [sflag:s29], $0x2000  }
0x7a: {  	s30 =	simm.s32 @!p0 $0x80;
	[sflag:s29] =	ssyncset.done @!p0 $0x0  }
0x7b: {  	s31 =	simm.s32 @!p0 $0x6400;
	[sflag:s29] =	ssyncadd.s32 @!p0 $0xFFFFE000;
	s29 =	sadd.s32 @!p0 $0x200, s26  }
0x7c: {  	[tilespmem:s31], [sflag:$0x1] =	stream.indirect.gather @!p0 [hbm4b:s5+s30], $0x40, s29, s30, $0xb8;
	[tilespmem:$0xE400] =	vst v63  }
0x7d: {  	s29 =	simm.s32 $0xA400  }
0x7e: {  	v0 =	vld [tilespmem:s29+$0xF0]  }
0x7f: {  	v1 =	vld [tilespmem:s29+$0x10]  }
0x80: {  	v2 =	vld [tilespmem:s29+$0x20]  }
0x81: {  	v3 =	vld [tilespmem:s29+$0x30]  }
0x82: {  	v4 =	vld [tilespmem:s29+$0x40]  }
0x83: {  	v5 =	vld [tilespmem:s29+$0x50];
	v0 =	vmul.f32 $8.000000000e+00, v0  }
0x84: {  	v6 =	vld [tilespmem:s29+$0x60];
	v1 =	vmul.f32 $8.000000000e+00, v1  }
0x85: {  	v7 =	vld [tilespmem:s29+$0x70];
	v2 =	vmul.f32 $8.000000000e+00, v2;
	[tilespmem:s29+$0xF0] =	vst v0  }
0x86: {  	[tilespmem:s29+$0x10] =	vst v1;
	v0 =	vmul.f32 $8.000000000e+00, v3;
	v3 =	vld [tilespmem:s29+$0x80]  }
0x87: {  	[tilespmem:s29+$0x20] =	vst v2;
	v1 =	vmul.f32 $8.000000000e+00, v4;
	v4 =	vld [tilespmem:s29+$0x90]  }
0x88: {  	v8 =	vld [tilespmem:s29+$0xA0];
	v2 =	vmul.f32 $8.000000000e+00, v5;
	[tilespmem:s29+$0x30] =	vst v0  }
0x89: {  	v5 =	vmul.f32 $8.000000000e+00, v6;
	[tilespmem:s29+$0x40] =	vst v1;
	v0 =	vld [tilespmem:s29+$0xB0]  }
0x8a: {  	v6 =	vmul.f32 $8.000000000e+00, v7;
	[tilespmem:s29+$0x50] =	vst v2;
	v1 =	vld [tilespmem:s29+$0xC0]  }
0x8b: {  	[tilespmem:s29+$0x60] =	vst v5;
	v2 =	vld [tilespmem:s29+$0xD0];
	v7 =	vmul.f32 $8.000000000e+00, v3  }
0x8c: {  	[tilespmem:s29+$0x70] =	vst v6;
	v3 =	vld [tilespmem:s29+$0xE0];
	v5 =	vmul.f32 $8.000000000e+00, v4  }
0x8d: {  	s30 =	simm.s32 $0x0;
	s31 =	simm.s32 $0xA500;
	v6 =	vmul.f32 $8.000000000e+00, v8;
	v4 =	vld [tilespmem:s29+$0x0];
	[tilespmem:s29+$0x80] =	vst v7  }
.LBB2_7:
0x8e: {  	v7 =	vld [tilespmem:s31+$0xF0];
	s30 =	sadd.s32 $0x4, s30;
	[tilespmem:s29+$0x90] =	vst v5;
	v0 =	vmul.f32 $8.000000000e+00, v0  }
0x8f: {  	v5 =	vld [tilespmem:s31+$0x10];
	p0 =	slt.u32 s30, $0x7C;
	[tilespmem:s29+$0xA0] =	vst v6;
	v1 =	vmul.f32 $8.000000000e+00, v1  }
0x90: {  	v6 =	vld [tilespmem:s31+$0x20];
	[tilespmem:s29+$0xB0] =	vst v0;
	v0 =	vmul.f32 $8.000000000e+00, v2  }
0x91: {  	v2 =	vld [tilespmem:s31+$0x30];
	[tilespmem:s29+$0xC0] =	vst v1;
	v1 =	vmul.f32 $8.000000000e+00, v3  }
0x92: {  	v3 =	vld [tilespmem:s31+$0x40];
	v4 =	vmul.f32 $8.000000000e+00, v4;
	[tilespmem:s29+$0xD0] =	vst v0  }
0x93: {  	v0 =	vld [tilespmem:s31+$0x50];
	v7 =	vmul.f32 $8.000000000e+00, v7;
	[tilespmem:s29+$0xE0] =	vst v1  }
0x94: {  	v1 =	vmul.f32 $8.000000000e+00, v5;
	v5 =	vld [tilespmem:s31+$0x60];
	[tilespmem:s29+$0x0] =	vst v4;
	s29 =	smov.u32 s31  }
0x95: {  	v4 =	vmul.f32 $8.000000000e+00, v6;
	v6 =	vld [tilespmem:s31+$0x70];
	[tilespmem:s31+$0xF0] =	vst v7  }
0x96: {  	[tilespmem:s31+$0x10] =	vst v1;
	v1 =	vmul.f32 $8.000000000e+00, v2;
	v2 =	vld [tilespmem:s31+$0x80]  }
0x97: {  	[tilespmem:s31+$0x20] =	vst v4;
	v3 =	vmul.f32 $8.000000000e+00, v3;
	v4 =	vld [tilespmem:s31+$0x90]  }
0x98: {  	[tilespmem:s31+$0x30] =	vst v1;
	v1 =	vmul.f32 $8.000000000e+00, v0;
	v7 =	vld [tilespmem:s31+$0xA0]  }
.Ltmp2:
0x99: {  	[tilespmem:s31+$0x40] =	vst v3;
	v3 =	vmul.f32 $8.000000000e+00, v5;
	v0 =	vld [tilespmem:s31+$0xB0];
	(pc) =	sbr.rel @p0 .LBB2_7-.Ltmp2, $4  }
0x9a: {  	[tilespmem:s31+$0x50] =	vst v1;
	v5 =	vmul.f32 $8.000000000e+00, v6;
	v1 =	vld [tilespmem:s31+$0xC0]  }
0x9b: {  	[tilespmem:s31+$0x60] =	vst v3;
	v6 =	vmul.f32 $8.000000000e+00, v2;
	v2 =	vld [tilespmem:s31+$0xD0]  }
0x9c: {  	[tilespmem:s31+$0x70] =	vst v5;
	v5 =	vmul.f32 $8.000000000e+00, v4;
	v3 =	vld [tilespmem:s31+$0xE0]  }
0x9d: {  	s31 =	sadd.s32 $0x100, s31;
	v4 =	vld [tilespmem:s29+$0x0];
	[tilespmem:s29+$0x80] =	vst v6;
	v6 =	vmul.f32 $8.000000000e+00, v7  }
0x9e: {  	[tilespmem:s29+$0x90] =	vst v5;
	v0 =	vmul.f32 $8.000000000e+00, v0  }
0x9f: {  	[tilespmem:s29+$0xA0] =	vst v6;
	v1 =	vmul.f32 $8.000000000e+00, v1  }
0xa0: {  	[tilespmem:s29+$0xB0] =	vst v0;
	v0 =	vmul.f32 $8.000000000e+00, v2  }
0xa1: {  	s28 =	sadd.s32 s4, s28;
	[tilespmem:s29+$0xC0] =	vst v1;
	v1 =	vmul.f32 $8.000000000e+00, v3  }
0xa2: {  	s28 =	sshll.u32 s28, $0xA;
	v2 =	vmul.f32 $8.000000000e+00, v4;
	[tilespmem:s29+$0xD0] =	vst v0  }
0xa3: {  	s28 =	sand.u32 $0x1FFFF800, s28;
	[tilespmem:s29+$0xE0] =	vst v1  }
0xa4: {  	s28 =	sadd.s32 s2, s28;
	[tilespmem:s29+$0x0] =	vst v2  }
0xa5: {  	[hbm4b:s28+s3] =	stream.linear.scatter [tilespmem:s14], [sflag:$0x7], $0x2000, $0x38;
	[tilespmem:$0xE400] =	vst v63  }
0xa6: {  	s25 =	sor.u32 $0x3, s25;
	_ =	swait.ge [sflag:s18], $0x2000  }
0xa7: {  	p0 =	sgt.u32 s25, $0xC5;
	[sflag:s18] =	ssyncset.done $0x0  }
0xa8: {  	s28 =	simm.s32 @!p0 $0x6;
	[sflag:s18] =	ssyncadd.s32 $0xFFFFE000  }
0xa9: {  	_ =	swait.ge @!p0 [sflag:s28], $0x2000  }
0xaa: {  	s26 =	sadd.s32 @!p0 $0x280, s26;
	[sflag:s28] =	ssyncset.done @!p0 $0x0  }
0xab: {  	s29 =	simm.s32 @!p0 $0x8400;
	[sflag:s28] =	ssyncadd.s32 @!p0 $0xFFFFE000;
	s28 =	simm.s32 @!p0 $0x80  }
0xac: {  	[tilespmem:s29], [sflag:$0x2] =	stream.indirect.gather @!p0 [hbm4b:s5+s28], $0x40, s26, s28, $0xb8;
	[tilespmem:$0xE400] =	vst v63  }
0xad: {  	s26 =	simm.s32 $0xC400  }
0xae: {  	v0 =	vld [tilespmem:s26+$0xF0]  }
0xaf: {  	v1 =	vld [tilespmem:s26+$0x10]  }
0xb0: {  	v2 =	vld [tilespmem:s26+$0x20]  }
0xb1: {  	v3 =	vld [tilespmem:s26+$0x30]  }
0xb2: {  	v4 =	vld [tilespmem:s26+$0x40]  }
0xb3: {  	v5 =	vld [tilespmem:s26+$0x50];
	v0 =	vmul.f32 $8.000000000e+00, v0  }
0xb4: {  	v6 =	vld [tilespmem:s26+$0x60];
	v1 =	vmul.f32 $8.000000000e+00, v1  }
0xb5: {  	v7 =	vld [tilespmem:s26+$0x70];
	v2 =	vmul.f32 $8.000000000e+00, v2;
	[tilespmem:s26+$0xF0] =	vst v0  }
0xb6: {  	[tilespmem:s26+$0x10] =	vst v1;
	v0 =	vmul.f32 $8.000000000e+00, v3;
	v3 =	vld [tilespmem:s26+$0x80]  }
0xb7: {  	[tilespmem:s26+$0x20] =	vst v2;
	v1 =	vmul.f32 $8.000000000e+00, v4;
	v4 =	vld [tilespmem:s26+$0x90]  }
0xb8: {  	v8 =	vld [tilespmem:s26+$0xA0];
	v2 =	vmul.f32 $8.000000000e+00, v5;
	[tilespmem:s26+$0x30] =	vst v0  }
0xb9: {  	v5 =	vmul.f32 $8.000000000e+00, v6;
	[tilespmem:s26+$0x40] =	vst v1;
	v0 =	vld [tilespmem:s26+$0xB0]  }
0xba: {  	v6 =	vmul.f32 $8.000000000e+00, v7;
	[tilespmem:s26+$0x50] =	vst v2;
	v1 =	vld [tilespmem:s26+$0xC0]  }
0xbb: {  	[tilespmem:s26+$0x60] =	vst v5;
	v2 =	vld [tilespmem:s26+$0xD0];
	v7 =	vmul.f32 $8.000000000e+00, v3  }
0xbc: {  	[tilespmem:s26+$0x70] =	vst v6;
	v3 =	vld [tilespmem:s26+$0xE0];
	v5 =	vmul.f32 $8.000000000e+00, v4  }
0xbd: {  	s28 =	simm.s32 $0x0;
	s29 =	simm.s32 $0xC500;
	v6 =	vmul.f32 $8.000000000e+00, v8;
	v4 =	vld [tilespmem:s26+$0x0];
	[tilespmem:s26+$0x80] =	vst v7  }
.LBB2_9:
0xbe: {  	v7 =	vld [tilespmem:s29+$0xF0];
	s28 =	sadd.s32 $0x4, s28;
	[tilespmem:s26+$0x90] =	vst v5;
	v0 =	vmul.f32 $8.000000000e+00, v0  }
0xbf: {  	v5 =	vld [tilespmem:s29+$0x10];
	p0 =	slt.u32 s28, $0x7C;
	[tilespmem:s26+$0xA0] =	vst v6;
	v1 =	vmul.f32 $8.000000000e+00, v1  }
0xc0: {  	v6 =	vld [tilespmem:s29+$0x20];
	[tilespmem:s26+$0xB0] =	vst v0;
	v0 =	vmul.f32 $8.000000000e+00, v2  }
0xc1: {  	v2 =	vld [tilespmem:s29+$0x30];
	[tilespmem:s26+$0xC0] =	vst v1;
	v1 =	vmul.f32 $8.000000000e+00, v3  }
0xc2: {  	v3 =	vld [tilespmem:s29+$0x40];
	v4 =	vmul.f32 $8.000000000e+00, v4;
	[tilespmem:s26+$0xD0] =	vst v0  }
0xc3: {  	v0 =	vld [tilespmem:s29+$0x50];
	v7 =	vmul.f32 $8.000000000e+00, v7;
	[tilespmem:s26+$0xE0] =	vst v1  }
0xc4: {  	v1 =	vmul.f32 $8.000000000e+00, v5;
	v5 =	vld [tilespmem:s29+$0x60];
	[tilespmem:s26+$0x0] =	vst v4;
	s26 =	smov.u32 s29  }
0xc5: {  	v4 =	vmul.f32 $8.000000000e+00, v6;
	v6 =	vld [tilespmem:s29+$0x70];
	[tilespmem:s29+$0xF0] =	vst v7  }
0xc6: {  	[tilespmem:s29+$0x10] =	vst v1;
	v1 =	vmul.f32 $8.000000000e+00, v2;
	v2 =	vld [tilespmem:s29+$0x80]  }
0xc7: {  	[tilespmem:s29+$0x20] =	vst v4;
	v3 =	vmul.f32 $8.000000000e+00, v3;
	v4 =	vld [tilespmem:s29+$0x90]  }
0xc8: {  	[tilespmem:s29+$0x30] =	vst v1;
	v1 =	vmul.f32 $8.000000000e+00, v0;
	v7 =	vld [tilespmem:s29+$0xA0]  }
.Ltmp3:
0xc9: {  	[tilespmem:s29+$0x40] =	vst v3;
	v3 =	vmul.f32 $8.000000000e+00, v5;
	v0 =	vld [tilespmem:s29+$0xB0];
	(pc) =	sbr.rel @p0 .LBB2_9-.Ltmp3, $4  }
0xca: {  	[tilespmem:s29+$0x50] =	vst v1;
	v5 =	vmul.f32 $8.000000000e+00, v6;
	v1 =	vld [tilespmem:s29+$0xC0]  }
0xcb: {  	[tilespmem:s29+$0x60] =	vst v3;
	v6 =	vmul.f32 $8.000000000e+00, v2;
	v2 =	vld [tilespmem:s29+$0xD0]  }
0xcc: {  	[tilespmem:s29+$0x70] =	vst v5;
	v5 =	vmul.f32 $8.000000000e+00, v4;
	v3 =	vld [tilespmem:s29+$0xE0]  }
0xcd: {  	s29 =	sadd.s32 $0x100, s29;
	v4 =	vld [tilespmem:s26+$0x0];
	[tilespmem:s26+$0x80] =	vst v6;
	v6 =	vmul.f32 $8.000000000e+00, v7  }
0xce: {  	[tilespmem:s26+$0x90] =	vst v5;
	v0 =	vmul.f32 $8.000000000e+00, v0  }
0xcf: {  	s24 =	sadd.s32 $0x1, s24;
	[tilespmem:s26+$0xA0] =	vst v6;
	v1 =	vmul.f32 $8.000000000e+00, v1  }
0xd0: {  	p0 =	sne.s32 s24, $0x32;
	[tilespmem:s26+$0xB0] =	vst v0;
	v61 =	vmul.f32 $8.000000000e+00, v2  }
.Ltmp4:
0xd1: {  	s25 =	sadd.s32 s4, s25;
	[tilespmem:s26+$0xC0] =	vst v1;
	v62 =	vmul.f32 $8.000000000e+00, v3;
	(pc) =	sbr.rel @p0 .LBB2_2-.Ltmp4, $4  }
0xd2: {  	s25 =	sshll.u32 s25, $0xA;
	v63 =	vmul.f32 $8.000000000e+00, v4;
	[tilespmem:s26+$0xD0] =	vst v61  }
0xd3: {  	s25 =	sand.u32 $0x1FFFFC00, s25;
	[tilespmem:s26+$0xE0] =	vst v62  }
0xd4: {  	s25 =	sadd.s32 s2, s25;
	[tilespmem:s26+$0x0] =	vst v63  }
0xd5: {  	[hbm4b:s25+s3] =	stream.linear.scatter [tilespmem:s16], [sflag:$0x8], $0x2000, $0x38;
	[tilespmem:$0xE400] =	vst v63  }
0xd6: {  	_ =	swait.ge [sflag:s19], $0x2000  }
0xd7: {  	[sflag:s19] =	ssyncset.done $0x0  }
0xd8: {  	[sflag:s19] =	ssyncadd.s32 $0xFFFFE000  }
0xd9: {  	_ =	swait.ge [sflag:s20], $0x2000  }
0xda: {  	[sflag:s20] =	ssyncset.done $0x0  }
0xdb: {  	s23 =	sadd.s32 $0x1, s23;
	[sflag:s20] =	ssyncadd.s32 $0xFFFFE000  }
0xdc: {  	p0 =	sne.s32 s23, s8;
	_ =	swait.ge [sflag:s21], $0x2000  }
.Ltmp5:
0xdd: {  	[sflag:s21] =	ssyncset.done $0x0;
	(pc) =	sbr.rel @p0 .LBB2_1-.Ltmp5, $4  }
0xde: {  	[sflag:s21] =	ssyncadd.s32 $0xFFFFE000  }
0xdf: {  	_ =	swait.ge [sflag:s22], $0x2000  }
0xe0: {  	[sflag:s22] =	ssyncset.done $0x0  }
0xe1: {  	[sflag:s22] =	ssyncadd.s32 $0xFFFFE000  }
0xe2: {  	_ =	sfence.sel $0x180000  }
0xe3: {  	[bflag:$0x0] =	sbarrier.arrive $0xFFFF  }
0xe4: {  	p0 =	sne.s32 s0, $0x0;
	_ =	strace $0x90000047  }
0xe5: {  	s0 =	sadd.s32 @!p0 $0x100000, s1;
	[bflag:$0x2] =	sbarrier.arrive $0xFFFF  }
0xe6: {  	[sflag:s0] =	ssyncadd.tile.s32 @!p0 $0x1;
	_ =	shalt  }
.Lfunc_end2:
_tile_overlayer_lowered:
.L_overlay_start_2:
0xe7: {  	(tag) =	ssettag $0x2  }
0xe8: {  	s0 =	rddreg [dreg:$0x0];
	s2 =	stileid.u32  }
0xe9: {  	s1 =	rddreg [dreg:$0x1];
	p0 =	sne.s32 s2, $0x0  }
0xea: {  	s3 =	rddreg [dreg:$0x2];
	[bflag:$0x3] =	sbarrier.arrive $0xFFFF;
	s2 =	simm.s32 @!p0 $0x1C09  }
0xeb: {  	[timem:s3], [sflag:s2] =	dma.local @!p0 [hbm:s0], s1  }
0xec: {  	s0 =	simm.s32 @!p0 $0x9  }
0xed: {  	_ =	swait.ge @!p0 [sflag:s0], s1  }
0xee: {  	s1 =	ssub.s32 @!p0 $0x0, s1;
	[sflag:s0] =	ssyncset.done @!p0 $0x0  }
0xef: {  	[sflag:s0] =	ssyncadd.s32 @!p0 s1  }
0xf0: {  	[bflag:$0x3] =	sbarrier.arrive $0xFFFF  }
0xf1: {  	_ =	shalt  }

// kernel: sparse-core-data-format-call.cloned.1.call-start
scs
called_computation_lowered:
.L_overlay_start_0:
0x0: {  	s2 =	sld [smem:$0x3FD9]  }
0x1: {  	s3 =	sld [smem:$0x3FFE];
	_ =	sdelay $0x1  }
0x2: {  	s1 =	srdreg.scid  }
0x3: {  	s0 =	sand.u32 $0x1, s1  }
0x4: {  	s18 =	sshll.u32 s0, $0xA;
	s2 =	sadd.s32 s3, s2  }
0x5: {  	s2 =	sadd.s32 s2, s18  }
0x6: {  	[smem:$0x3FC6] =	sst s2  }
0x7: {  	_ = 	snop  }
0x8: {  	s2 =	sld [smem:$0x3FD0];
	(tm) =	ssettm $0x1  }
0x9: {  	s19 =	sld [smem:$0x3FFB];
	_ =	sdelay $0x3  }
0xa: {  	_ =	strace s19  }
0xb: {  	s3 =	sld [smem:$0x3FFC];
	_ =	sdelay $0x3  }
0xc: {  	_ =	strace s3  }
0xd: {  	s3 =	sld [smem:$0x3FFD];
	_ =	sdelay $0x3  }
0xe: {  	_ =	strace s3  }
0xf: {  	_ =	strace $0x8FFFFFFF  }
0x10: {  	s20 =	sld [smem:$0x3FDB];
	_ =	sdelay $0x1  }
0x11: {  	s4 =	simm.s32 $_scs_section_size  }
0x12: {  	s5 =	simm.s32 $_size__tile_overlayer_lowered;
	s6 =	simm.s32 $_tile_overlayer_lowered  }
0x13: {  	s23 =	simm.s32 $0x1BFF;
	s22 =	sshll.u32 s6, $0x1;
	s3 =	sadd.s32 s4, s20  }
0x14: {  	s7 =	simm.s32 $0x0;
	s21 =	sshll.u32 s5, $0x1;
	s5 =	sadd.s32 s22, s3  }
0x15: {  	[timem:s7], [sflag:s23] =	dma.local [hbm:s5], s21  }
0x16: {  	_ =	swait.ge [sflag:s23], s21  }
0x17: {  	s4 =	ssub.s32 $0x0, s21;
	[sflag:s23] =	ssyncset.done $0x0  }
0x18: {  	[sflag:s23] =	ssyncadd.s32 s4;
	_ =	sdelay $0x1  }
0x19: {  	s24 =	simm.s32 $0x1B8B  }
0x1a: {  	_ =	swait.ge [sflag:s24], $0x1  }
0x1b: {  	[sflag:s24] =	ssyncset.done $0x0  }
0x1c: {  	s26 =	simm.s32 $0x1B8E;
	s25 =	sld [smem:$0x3FFE];
	[sflag:s24] =	ssyncadd.s32 $0xFFFFFFFF  }
0x1d: {  	s27 =	simm.s32 $execute0_lowered;
	[smem:$0x3FD2] =	sst s26  }
0x1e: {  	s5 =	sshll.u32 s27, $0x1;
	_ =	strace $0x80000049;
	[dreg:$0x1] =	wrdreg $0xFFFFFFFF  }
0x1f: {  	s28 =	simm.s32 $_size_execute0_lowered;
	s3 =	sadd.s32 s3, s5;
	[dreg:$0x0] =	wrdreg $0x0  }
0x20: {  	s5 =	sshll.u32 s28, $0x1;
	[dreg:$0x2] =	wrdreg s3  }
0x21: {  	[dreg:$0x3] =	wrdreg s5  }
0x22: {  	[dreg:$0x4] =	wrdreg $0xC0  }
0x23: {  	_ =	task [dreg:s7], $0x5FFFF  }
0x24: {  	[dreg:$0x1] =	wrdreg $0xFFFFFFFF  }
0x25: {  	[dreg:$0x0] =	wrdreg $0x60  }
0x26: {  	[dreg:$0x2] =	wrdreg s25  }
0x27: {  	[dreg:$0x3] =	wrdreg s2  }
0x28: {  	[dreg:$0x4] =	wrdreg $0x9  }
0x29: {  	_ =	task.clear_ibuf [dreg:s7], $0x5FFFF;
	_ =	strace $0x90000049  }
0x2a: {  	s29 =	simm.s32 $0x9;
	_ =	strace $0x8000004B  }
0x2b: {  	_ =	swait.ge [sflag:s29], $0x1  }
0x2c: {  	[sflag:s29] =	ssyncadd.s32 $0xFFFFFFFF  }
0x2d: {  	_ =	strace $0x9000004B  }
0x2e: {  	_ =	sfence  }
0x2f: {  	s30 =	sld [smem:$0x0];
	_ =	sdelay $0x2  }
0x30: {  	s31 =	sshll.u32 s1, $0xD;
	s1 =	sshrl.u32 s1, $0x2  }
0x31: {  	s3 =	sand.u32 $0x4000, s31;
	s1 =	sadd.s32 s1, s30  }
0x32: {  	s0 =	sor.u32 s3, s0;
	s1 =	sshll.u32 s1, $0x11  }
0x33: {  	s0 =	sor.u32 s1, s0  }
0x34: {  	s0 =	sadd.s32 $0x8F2B, s0  }
0x35: {  	[sflag:s0] =	ssyncadd.remote.s32 $0x1  }
0x36: {  	_ =	sfence.sel $0xFFFF  }
0x37: {  	[dreg:$0x0] =	wrdreg $0xFFFFFFFF;
	(pc) =	sbr.abs _section_cstart, $3  }
0x38: {  	[dreg:$0x1] =	wrdreg $0xFFFFFFFF  }
0x39: {  	_ =	task.clear_ibuf [dreg:s7], $0x2FFFF;
	_ =	strace $0x9FFFFFFF  }
0x3a: {  	(tm) =	ssettm $0x7FFFFFFF  }
0x3b: {  	_ =	shalt  }
tec
execute0_lowered:
.L_overlay_start_1:
0x0: {  	(tag) =	ssettag $0x1  }
0x1: {  	s0 =	srdreg.scid  }
0x2: {  	s1 =	sshll.u32 s0, $0x4  }
0x3: {  	s0 =	stileid.u32;
	s1 =	sand.u32 $0x10, s1  }
0x4: {  	s1 =	sor.u32 s0, s1  }
0x5: {  	s6 =	rddreg [dreg:$0x0];
	s4 =	simm.s32 $0x1;
	s2 =	sshll.u32 s1, $0x7  }
0x6: {  	s7 =	simm.s32 $0x2;
	s12 =	simm.s32 $0x0;
	s1 =	ssub.s32 $0x1000, s2  }
0x7: {  	s8 =	simm.s32 $0x8000;
	s13 =	simm.s32 $0x0;
	s3 =	sand.u32 $0xF80, s1  }
0x8: {  	s9 =	simm.s32 $0x0;
	s5 =	sshrl.u32 s1, $0xC;
	p0 =	sne.s32 s3, $0x0  }
.Ltmp0:
0x9: {  	s1 =	rddreg [dreg:$0x2];
	s4 =	simm.s32 @!p0 $0x0;
	(pc) =	sbr.rel .LBB1_1-.Ltmp0, $4  }
0xa: {  	s11 =	simm.s32 $0x0;
	s3 =	rddreg [dreg:$0x1];
	s5 =	sadd.s32 s4, s5  }
0xb: {  	_ =	strace $0x8000004A;
	s4 =	simm.s32 $0x1;
	s5 =	smul.u32 $0xC8, s5  }
0xc: {  	s6 =	sadd.s32 $0xA00, s6;
	s10 =	smov.u32 s2;
	[sflag:s4] =	ssyncpa.u1 $0x0  }
0xd: {  	p0 =	por $0x0, $0x0;
	[sflag:s7] =	ssyncpa.u1 $0x0;
	s7 =	sor.u32 $0x1, s5  }
.LBB1_4:
0xe: {  	s16 =	sshll.u32 s13, $0x3;
	s17 =	sand.u32 $0x78, s13  }
0xf: {  	s30 =	sand.u32 $0x7E00, s13;
	s12 =	sshll.u32 s12, $0xF;
	s16 =	sand.u32 $0xC00, s16  }
0x10: {  	[tilespmem:s15+$0x810 ss:$0x81] =	vst.msk $0xffff, v2;
	s31 =	sand.u32 $0x7, s13;
	s16 =	sor.u32 s17, s16;
	s17 =	sadd.s32 s3, s30  }
0x11: {  	[tilespmem:s15+$0x1020 ss:$0x81] =	vst.msk $0xffff, v0;
	s13 =	sshll.u32 s31, $0x12;
	s12 =	sadd.s32 s12, s17;
	s16 =	sshrl.u32 s16, $0x3  }
0x12: {  	[tilespmem:s15+$0x0 ss:$0x81] =	vst.msk $0xffff, v1;
	s13 =	sor.u32 $0x400, s13;
	s12 =	sadd.s32 s16, s12  }
0x13: {  	[hbm4b:s12+s13] =	stream.strided.scatter [tilespmem:s14], [sflag:$0x2], $0x2000, s8, s13, $0x20;
	[tilespmem:$0x8080] =	vst v63  }
.LBB1_5:
0x14: {  	s14 =	sadd.s32 $0x1, s9  }
0x15: {  	s12 =	sadd.s32 $0x1000, s10;
	s16 =	smov.u32 s10;
	p2 =	sgt.s32 s14, $0xC7  }
0x16: {  	s16 =	smov.u32 @p2 s12  }
0x17: {  	s14 =	simm.s32 @p2 $0x0;
	p2 =	sgt.s32 s16, $0xFFF  }
0x18: {  	s16 =	smov.u32 @p2 s2;
	p2 =	sne.s32 s11, s7  }
.Ltmp1:
0x19: {  	p1 =	slt.u32 s11, $0x2;
	(pc) =	sbr.rel @!p2 .LBB1_6-.Ltmp1, $4  }
0x1a: {  	s15 =	simm.s32 @!p1 $0x2  }
0x1b: {  	s13 =	smov.u32 s10;
	p0 =	por !p0, !p0;
	_ =	swait.ge @!p1 [sflag:s15], $0x2000  }
0x1c: {  	s12 =	smov.u32 s9;
	[sflag:s15] =	ssyncset.done @!p1 $0x0;
	s9 =	smov.u32 s14  }
0x1d: {  	s11 =	sadd.s32 $0x1, s11;
	[sflag:s15] =	ssyncadd.s32 @!p1 $0xFFFFE000;
	s10 =	smov.u32 s16  }
.LBB1_1:
0x1e: {  	p1 =	sge.u32 s11, s5  }
0x1f: {  	s14 =	sand.u32 @!p1 $0x1FFFFFF, s9  }
0x20: {  	s15 =	smulhi.u32 @!p1 $0x147AE15, s14;
	_ =	sdelay $0x1  }
0x21: {  	s15 =	smul.u32 @!p1 $0xC8, s15  }
0x22: {  	s16 =	sxor.u32 @!p1 $0xFFFFFFFF, s11;
	s17 =	smul.u32 @!p1 $0xC80, s10  }
0x23: {  	s31 =	sadd.s32 $0xFFFFFFFF, s11;
	s16 =	sshll.u32 @!p1 s16, $0xD;
	s14 =	ssub.s32 @!p1 s14, s15  }
0x24: {  	s15 =	sand.u32 @!p1 $0x2000, s16;
	s16 =	sadd.s32 @!p1 s6, s17;
	s14 =	sshll.u32 @!p1 s14, $0x4  }
0x25: {  	s17 =	simm.s32 @!p1 $0x6400;
	s14 =	sadd.s32 @!p1 s14, s16;
	s16 =	simm.s32 @!p1 $0x40  }
0x26: {  	[tilespmem:s15], [sflag:$0x1] =	stream.strided.gather @!p1 [hbm4b:s14+s16], $0x2000, s17, s16, $0x38;
	[tilespmem:$0x8080] =	vst v63  }
0x27: {  	p1 =	sge.u32 s31, s5  }
.Ltmp2:
0x28: {  	_ = 	snop;
	(pc) =	sbr.rel @p1 .LBB1_5-.Ltmp2, $1  }
0x29: {  	_ =	sdelay $0x3  }
0x2a: {  	s14 =	simm.s32 $0x1  }
0x2b: {  	_ =	swait.ge [sflag:s4], $0x2000;
	s14 =	simm.s32 @!p0 $0x0  }
0x2c: {  	[sflag:s4] =	ssyncset.done $0x0;
	s15 =	sshll.u32 s14, $0xD  }
0x2d: {  	[sflag:s4] =	ssyncadd.s32 $0xFFFFE000;
	s18 =	sor.u32 $0x20, s15  }
0x2e: {  	s14 =	smul.u32 $0x8100, s14;
	v3 =	vld [tilespmem:s18+$0x10]  }
0x2f: {  	s30 =	sand.u32 $0x1, s11;
	v2 =	vld [tilespmem:s18+$0xFFFFFFF0]  }
0x30: {  	s15 =	smul.u32 $0x8100, s30;
	s14 =	sshrl.u32 s14, $0x2;
	v0 =	vld [tilespmem:s18+$0x0]  }
0x31: {  	v1 =	vld [tilespmem:s18+$0xFFFFFFE0];
	s16 =	sor.u32 $0x4000, s14  }
0x32: {  	s31 =	sshrl.u32 s15, $0x2;
	s15 =	sadd.s32 $0x0, s16  }
0x33: {  	s17 =	simm.s32 $0x4;
	s18 =	sadd.s32 $0x40, s18;
	s14 =	sor.u32 $0x4000, s31;
	[tilespmem:s15+$0x1830 ss:$0x81] =	vst.msk $0xffff, v3  }
.LBB1_3:
0x34: {  	v3 =	vld [tilespmem:s18+$0x10];
	p1 =	sne.s32 s17, $0x1FC;
	[tilespmem:s15+$0x810 ss:$0x81] =	vst.msk $0xffff, v2;
	s19 =	smov.u32 s17;
	s17 =	sadd.s32 $0x4, s17  }
.Ltmp3:
0x35: {  	v2 =	vld [tilespmem:s18+$0xFFFFFFF0];
	[tilespmem:s15+$0x1020 ss:$0x81] =	vst.msk $0xffff, v0;
	(pc) =	sbr.rel @p1 .LBB1_3-.Ltmp3, $4  }
0x36: {  	v0 =	vld [tilespmem:s18+$0x0];
	[tilespmem:s15+$0x0 ss:$0x81] =	vst.msk $0xffff, v1  }
0x37: {  	s15 =	sshra.s32 s19, $0x2;
	v1 =	vld [tilespmem:s18+$0xFFFFFFE0]  }
0x38: {  	s15 =	sadd.s32 s15, s16  }
0x39: {  	s18 =	sadd.s32 $0x40, s18;
	[tilespmem:s15+$0x1830 ss:$0x81] =	vst.msk $0xffff, v3  }
.Ltmp4:
0x3a: {  	_ = 	snop;
	(pc) =	sbr.rel .LBB1_4-.Ltmp4, $1  }
0x3b: {  	_ =	sdelay $0x3  }
.LBB1_6:
0x3c: {  	_ =	sfence.sel $0x180000  }
0x3d: {  	s2 =	simm.s32 $0x1;
	[bflag:$0x0] =	sbarrier.arrive $0xFFFF  }
0x3e: {  	s31 =	simm.s32 $0x2;
	[sflag:s2] =	ssyncpa.u1 $0x1  }
0x3f: {  	[sflag:s31] =	ssyncpa.u1 $0x1  }
0x40: {  	p0 =	sne.s32 s0, $0x0;
	_ =	strace $0x9000004A  }
0x41: {  	s0 =	sadd.s32 @!p0 $0x100000, s1;
	[bflag:$0x2] =	sbarrier.arrive $0xFFFF  }
0x42: {  	[sflag:s0] =	ssyncadd.tile.s32 @!p0 $0x1;
	_ =	shalt  }
.Lfunc_end1:
_tile_overlayer_lowered:
.L_overlay_start_2:
0x43: {  	(tag) =	ssettag $0x2  }
0x44: {  	s0 =	rddreg [dreg:$0x0];
	s2 =	stileid.u32  }
0x45: {  	s1 =	rddreg [dreg:$0x1];
	p0 =	sne.s32 s2, $0x0  }
0x46: {  	s3 =	rddreg [dreg:$0x2];
	[bflag:$0x3] =	sbarrier.arrive $0xFFFF;
	s2 =	simm.s32 @!p0 $0x1C01  }
0x47: {  	[timem:s3], [sflag:s2] =	dma.local @!p0 [hbm:s0], s1  }
0x48: {  	s0 =	simm.s32 @!p0 $0x1  }
0x49: {  	_ =	swait.ge @!p0 [sflag:s0], s1  }
0x4a: {  	s1 =	ssub.s32 @!p0 $0x0, s1;
	[sflag:s0] =	ssyncset.done @!p0 $0x0  }
0x4b: {  	[sflag:s0] =	ssyncadd.s32 @!p0 s1  }
0x4c: {  	[bflag:$0x3] =	sbarrier.arrive $0xFFFF  }
0x4d: {  	_ =	shalt  }

</sc_bundles>
